<compile_context>
chip_gen: v7x
topology: tpu7x:2x2x1
jax: 0.10.2.dev20260603
libtpu: 0.0.44.dev20260713+nightly
codegen_flags: <defaults>
</compile_context>

<pallas_src>
import functools

import jax
import jax.numpy as jnp
from jax import lax
from jax.experimental import pallas as pl
from jax.experimental.pallas import tpu as pltpu
from jax.experimental.pallas import tpu_sc as plsc

_G = 128
_W = 128


@jax.jit
def _encode(category, operator_class, cat_emb_pad, op_emb_pad):
    info = plsc.get_sparse_core_info()
    nw = info.num_cores * info.num_subcores
    n = category.shape[0]
    n_full = n // _G
    tail = n - n_full * _G
    full_per_w_lo = n_full // nw
    n_extra = n_full - full_per_w_lo * nw
    tail_w = n_full % nw

    mesh = plsc.VectorSubcoreMesh(core_axis_name="c", subcore_axis_name="s")

    @functools.partial(
        pl.kernel,
        mesh=mesh,
        compiler_params=pltpu.CompilerParams(needs_layout_passes=False),
        out_type=(jax.ShapeDtypeStruct((n, _W), jnp.float32),
                  jax.ShapeDtypeStruct((n, _W), jnp.float32)),
        scratch_types=[
            pltpu.VMEM((_G,), jnp.int32),
            pltpu.VMEM((_G,), jnp.int32),
            pltpu.VMEM((_G,), jnp.int32),
            pltpu.VMEM((_G,), jnp.int32),
            pltpu.VMEM((_G, _W), jnp.float32),
            pltpu.VMEM((_G, _W), jnp.float32),
            pltpu.VMEM((_G, _W), jnp.float32),
            pltpu.VMEM((_G, _W), jnp.float32),
            pltpu.SemaphoreType.DMA,
            pltpu.SemaphoreType.DMA,
            pltpu.SemaphoreType.DMA,
            pltpu.SemaphoreType.DMA,
            pltpu.SemaphoreType.DMA,
            pltpu.SemaphoreType.DMA,
            pltpu.SemaphoreType.DMA,
            pltpu.SemaphoreType.DMA,
        ],
    )
    def k(cat_idx_hbm, op_idx_hbm, cat_tab_hbm, op_tab_hbm,
          cat_g_hbm, op_g_hbm,
          idxc_a, idxo_a, idxc_b, idxo_b, catbuf_a, catbuf_b,
          opbuf_a, opbuf_b,
          isem_a, isem_b, gsem_a, gsem_b, wc_a, wc_b, wo_a, wo_b):
        wid = lax.axis_index("s") * info.num_cores + lax.axis_index("c")
        n_full_w = full_per_w_lo + jnp.where(wid < n_extra, 1, 0)

        def rowof(t):
            return (wid + t * nw) * _G

        def start_a(t, idxc_r, idxo_r, isem_r):
            row0 = rowof(t)
            pltpu.async_copy(cat_idx_hbm.at[pl.ds(row0, _G)], idxc_r, isem_r)
            pltpu.async_copy(op_idx_hbm.at[pl.ds(row0, _G)], idxo_r, isem_r)

        def start_b(t, idxc_r, idxo_r, catbuf_r, opbuf_r, gsem, isem_r):
            row0 = rowof(t)
            pltpu.make_async_copy(
                cat_idx_hbm.at[pl.ds(row0, _G)], idxc_r, isem_r).wait()
            pltpu.make_async_copy(
                op_idx_hbm.at[pl.ds(row0, _G)], idxo_r, isem_r).wait()
            pltpu.async_copy(cat_tab_hbm.at[idxc_r], catbuf_r, gsem)
            pltpu.async_copy(op_tab_hbm.at[idxo_r], opbuf_r, gsem)

        def phase(t, idxc_r, idxo_r, idxc_o, idxo_o, catbuf_r, catbuf_o,
                  opbuf_r, opbuf_o, gsem, gsem_o, wc, wc_o, wo, wo_o,
                  isem_r, isem_o):
            pltpu.make_async_copy(
                cat_tab_hbm.at[idxc_r], catbuf_r, gsem).wait()
            pltpu.make_async_copy(
                op_tab_hbm.at[idxo_r], opbuf_r, gsem).wait()

            @pl.when(t + 2 < n_full_w)
            def _():
                start_a(t + 2, idxc_r, idxo_r, isem_r)

            row0 = rowof(t)
            pltpu.async_copy(catbuf_r, cat_g_hbm.at[pl.ds(row0, _G)], wc)
            pltpu.async_copy(opbuf_r, op_g_hbm.at[pl.ds(row0, _G)], wo)

            @pl.when(t >= 1)
            def _():
                pltpu.make_async_copy(
                    catbuf_o, cat_g_hbm.at[pl.ds(0, _G)], wc_o).wait()
                pltpu.make_async_copy(
                    opbuf_o, op_g_hbm.at[pl.ds(0, _G)], wo_o).wait()

            @pl.when(t + 1 < n_full_w)
            def _():
                start_b(t + 1, idxc_o, idxo_o, catbuf_o, opbuf_o, gsem_o,
                        isem_o)

        start_a(0, idxc_a, idxo_a, isem_a)

        @pl.when(n_full_w >= 2)
        def _():
            start_a(1, idxc_b, idxo_b, isem_b)
        start_b(0, idxc_a, idxo_a, catbuf_a, opbuf_a, gsem_a, isem_a)

        def body(t, carry):
            @pl.when((t & 1) == 0)
            def _():
                phase(t, idxc_a, idxo_a, idxc_b, idxo_b, catbuf_a, catbuf_b,
                      opbuf_a, opbuf_b, gsem_a, gsem_b, wc_a, wc_b,
                      wo_a, wo_b, isem_a, isem_b)

            @pl.when((t & 1) == 1)
            def _():
                phase(t, idxc_b, idxo_b, idxc_a, idxo_a, catbuf_b, catbuf_a,
                      opbuf_b, opbuf_a, gsem_b, gsem_a, wc_b, wc_a,
                      wo_b, wo_a, isem_b, isem_a)
            return carry

        lax.fori_loop(0, n_full_w, body, 0)

        @pl.when(wid < n_extra)
        def _():
            pltpu.make_async_copy(
                catbuf_a, cat_g_hbm.at[pl.ds(0, _G)], wc_a).wait()
            pltpu.make_async_copy(
                opbuf_a, op_g_hbm.at[pl.ds(0, _G)], wo_a).wait()

        @pl.when(jnp.logical_not(wid < n_extra))
        def _():
            pltpu.make_async_copy(
                catbuf_b, cat_g_hbm.at[pl.ds(0, _G)], wc_b).wait()
            pltpu.make_async_copy(
                opbuf_b, op_g_hbm.at[pl.ds(0, _G)], wo_b).wait()

        if tail:
            @pl.when(wid == tail_w)
            def _():
                row0 = n_full * _G
                pltpu.sync_copy(cat_idx_hbm.at[pl.ds(row0, tail)],
                                idxc_a.at[pl.ds(0, tail)])
                pltpu.sync_copy(op_idx_hbm.at[pl.ds(row0, tail)],
                                idxo_a.at[pl.ds(0, tail)])
                a = pltpu.async_copy(
                    cat_tab_hbm.at[idxc_a.at[pl.ds(0, tail)]],
                    catbuf_a.at[pl.ds(0, tail)], gsem_a)
                b = pltpu.async_copy(
                    op_tab_hbm.at[idxo_a.at[pl.ds(0, tail)]],
                    opbuf_a.at[pl.ds(0, tail)], gsem_a)
                a.wait()
                b.wait()
                pltpu.sync_copy(catbuf_a.at[pl.ds(0, tail)],
                                cat_g_hbm.at[pl.ds(row0, tail)])
                pltpu.sync_copy(opbuf_a.at[pl.ds(0, tail)],
                                op_g_hbm.at[pl.ds(row0, tail)])

    return k(category, operator_class, cat_emb_pad, op_emb_pad)


def kernel(category, operator_class, rest_features, cat_emb, op_emb):
    d_cat = cat_emb.shape[1]
    d_op = op_emb.shape[1]
    cat_emb_pad = jnp.concatenate(
        [cat_emb, jnp.zeros((cat_emb.shape[0], _W - d_cat), jnp.float32)], 1)
    op_emb_pad = jnp.concatenate(
        [op_emb, jnp.zeros((op_emb.shape[0], _W - d_op), jnp.float32)], 1)
    cat_g, op_g = _encode(category.astype(jnp.int32),
                          operator_class.astype(jnp.int32),
                          cat_emb_pad, op_emb_pad)
    return jnp.concatenate(
        [cat_g[:, :d_cat], op_g[:, :d_op], rest_features], axis=1)

# --- scband reference (transcript-rebuilt; emitter-appended) ---
"""Pipeline reference for scband-custom-oebb-node-encoder-2473901163213 (READ-ONLY COPY).

The authoritative reference and input builder live on the scoring server;
editing this copy changes nothing except your own understanding.
"""

import jax, jax.numpy as jnp
import numpy as np

N = 100000
NUM_CATEGORIES = 100000
NUM_OPERATOR_CLASSES = 1000
EMB_DIM_CATEGORY = 64
EMB_DIM_OPERATOR_CLASS = 32
D_REST = 16


def _xavier_uniform(key, fan_in, fan_out):
    bound = float(np.sqrt(6.0 / (fan_in + fan_out)))
    return jax.random.uniform(key, (fan_in, fan_out), minval=-bound, maxval=bound, dtype=jnp.float32)


def setup_inputs(seed: int = 0) -> dict:
    key = jax.random.key(seed)
    k1, k2, k3, k4, k5 = jax.random.split(key, 5)
    category = jax.random.randint(k1, (N,), 0, NUM_CATEGORIES)
    operator_class = jax.random.randint(k2, (N,), 0, NUM_OPERATOR_CLASSES)
    rest_features = jax.random.normal(k3, (N, D_REST), dtype=jnp.float32)
    cat_emb = _xavier_uniform(k4, NUM_CATEGORIES, EMB_DIM_CATEGORY)
    op_emb = _xavier_uniform(k5, NUM_OPERATOR_CLASSES, EMB_DIM_OPERATOR_CLASS)
    return {
        "category": category,
        "operator_class": operator_class,
        "rest_features": rest_features,
        "cat_emb": cat_emb,
        "op_emb": op_emb,
    }


def reference(category, operator_class, rest_features, cat_emb, op_emb):
    # Faithful translation of CustomOebbNodeEncoder.forward:
    # batch.x[:,0] -> category lookup, batch.x[:,1] -> operator_class lookup,
    # batch.x[:,2:] -> rest features, concatenated along feature dim.
    category_embedded = jnp.take(cat_emb, category, axis=0)
    operator_class_embedded = jnp.take(op_emb, operator_class, axis=0)
    new_x = jnp.concatenate([category_embedded, operator_class_embedded, rest_features], axis=1)
    return new_x

if __name__ == "__main__":
    import jax
    _d = setup_inputs()
    print(jax.jit(kernel)(*tuple(_d.values())))

</pallas_src>

<mosaic_0001>
#map = affine_map<(d0, d1) -> (0)>
#map1 = affine_map<(d0, d1) -> (0, 0)>
module attributes {stable_mosaic.version = 14 : i64} {
  func.func @k(%arg0: i32, %arg1: i32, %arg2: memref<100000xi32, #tpu.memory_space<hbm>>, %arg3: memref<100000xi32, #tpu.memory_space<hbm>>, %arg4: memref<100000x128xf32, #tpu.memory_space<hbm>>, %arg5: memref<1000x128xf32, #tpu.memory_space<hbm>>, %arg6: memref<100000x128xf32, #tpu.memory_space<hbm>>, %arg7: memref<100000x128xf32, #tpu.memory_space<hbm>>, %arg8: memref<128xi32, #tpu.memory_space<vmem>>, %arg9: memref<128xi32, #tpu.memory_space<vmem>>, %arg10: memref<128xi32, #tpu.memory_space<vmem>>, %arg11: memref<128xi32, #tpu.memory_space<vmem>>, %arg12: memref<128x128xf32, #tpu.memory_space<vmem>>, %arg13: memref<128x128xf32, #tpu.memory_space<vmem>>, %arg14: memref<128x128xf32, #tpu.memory_space<vmem>>, %arg15: memref<128x128xf32, #tpu.memory_space<vmem>>, %arg16: memref<!tpu.dma_semaphore, #tpu.memory_space<semaphore_mem>>, %arg17: memref<!tpu.dma_semaphore, #tpu.memory_space<semaphore_mem>>, %arg18: memref<!tpu.dma_semaphore, #tpu.memory_space<semaphore_mem>>, %arg19: memref<!tpu.dma_semaphore, #tpu.memory_space<semaphore_mem>>, %arg20: memref<!tpu.dma_semaphore, #tpu.memory_space<semaphore_mem>>, %arg21: memref<!tpu.dma_semaphore, #tpu.memory_space<semaphore_mem>>, %arg22: memref<!tpu.dma_semaphore, #tpu.memory_space<semaphore_mem>>, %arg23: memref<!tpu.dma_semaphore, #tpu.memory_space<semaphore_mem>>) attributes {dimension_semantics = [#tpu.dimension_semantics<core_parallel>, #tpu.dimension_semantics<subcore_parallel>], iteration_bounds = array<i64: 2, 16>, scalar_prefetch = 0 : i64, scratch_operands = 16 : i64, tpu.core_type = #tpu.core_type<sc_vector_subcore>, window_params = [{transform_indices = #map}, {transform_indices = #map}, {transform_indices = #map1}, {transform_indices = #map1}, {transform_indices = #map1}, {transform_indices = #map1}]} {
    %mul3A = arith.constant 2 : i32
    %mul3A_0 = arith.muli %arg1, %mul3A : i32
    %add3A = arith.addi %mul3A_0, %arg0 : i32
    %lt3A = arith.constant 13 : i32
    %lt3A_1 = arith.cmpi slt, %add3A, %lt3A : i32
    %jit3A = arith.constant 1 : i32
    %jit3A_2 = arith.constant 0 : i32
    %select_n3A = arith.select %lt3A_1, %jit3A, %jit3A_2 : i32
    %add3A_3 = arith.constant 24 : i32
    %add3A_4 = arith.addi %add3A_3, %select_n3A : i32
    %add3A_5 = arith.constant 0 : i32
    %add3A_6 = arith.addi %add3A, %add3A_5 : i32
    %mul3A_7 = arith.constant 128 : i32
    %mul3A_8 = arith.muli %add3A_6, %mul3A_7 : i32
    %dma_start3A = tpu.memref_slice %arg2[%mul3A_8] : memref<100000xi32, #tpu.memory_space<hbm>> -> memref<128xi32, #tpu.memory_space<hbm>>
    %dma_start3A_9 = tpu.memref_slice %arg2[%mul3A_8] : memref<100000xi32, #tpu.memory_space<hbm>> -> memref<128xi32, #tpu.memory_space<hbm>>
    tpu.enqueue_dma source(%dma_start3A_9 : memref<128xi32, #tpu.memory_space<hbm>>) target(%arg8 : memref<128xi32, #tpu.memory_space<vmem>>) target_semaphore(%arg16 : memref<!tpu.dma_semaphore, #tpu.memory_space<semaphore_mem>>)
    %dma_start3A_10 = tpu.memref_slice %arg3[%mul3A_8] : memref<100000xi32, #tpu.memory_space<hbm>> -> memref<128xi32, #tpu.memory_space<hbm>>
    %dma_start3A_11 = tpu.memref_slice %arg3[%mul3A_8] : memref<100000xi32, #tpu.memory_space<hbm>> -> memref<128xi32, #tpu.memory_space<hbm>>
    tpu.enqueue_dma source(%dma_start3A_11 : memref<128xi32, #tpu.memory_space<hbm>>) target(%arg9 : memref<128xi32, #tpu.memory_space<vmem>>) target_semaphore(%arg16 : memref<!tpu.dma_semaphore, #tpu.memory_space<semaphore_mem>>)
    %ge3A = arith.constant 2 : i32
    %ge3A_12 = arith.cmpi sge, %add3A_4, %ge3A : i32
    %convert_element_type3A = arith.extui %ge3A_12 : i1 to i32
    %cond3A = arith.constant 0 : i32
    %cond3A_13 = arith.cmpi ne, %convert_element_type3A, %cond3A : i32
    scf.if %cond3A_13 {
      %add3A_51 = arith.constant 32 : i32
      %add3A_52 = arith.addi %add3A, %add3A_51 : i32
      %mul3A_53 = arith.constant 128 : i32
      %mul3A_54 = arith.muli %add3A_52, %mul3A_53 : i32
      %dma_start3A_55 = tpu.memref_slice %arg2[%mul3A_54] : memref<100000xi32, #tpu.memory_space<hbm>> -> memref<128xi32, #tpu.memory_space<hbm>>
      %dma_start3A_56 = tpu.memref_slice %arg2[%mul3A_54] : memref<100000xi32, #tpu.memory_space<hbm>> -> memref<128xi32, #tpu.memory_space<hbm>>
      tpu.enqueue_dma source(%dma_start3A_56 : memref<128xi32, #tpu.memory_space<hbm>>) target(%arg10 : memref<128xi32, #tpu.memory_space<vmem>>) target_semaphore(%arg17 : memref<!tpu.dma_semaphore, #tpu.memory_space<semaphore_mem>>)
      %dma_start3A_57 = tpu.memref_slice %arg3[%mul3A_54] : memref<100000xi32, #tpu.memory_space<hbm>> -> memref<128xi32, #tpu.memory_space<hbm>>
      %dma_start3A_58 = tpu.memref_slice %arg3[%mul3A_54] : memref<100000xi32, #tpu.memory_space<hbm>> -> memref<128xi32, #tpu.memory_space<hbm>>
      tpu.enqueue_dma source(%dma_start3A_58 : memref<128xi32, #tpu.memory_space<hbm>>) target(%arg11 : memref<128xi32, #tpu.memory_space<vmem>>) target_semaphore(%arg17 : memref<!tpu.dma_semaphore, #tpu.memory_space<semaphore_mem>>)
    } else {
    }
    %add3A_14 = arith.constant 0 : i32
    %add3A_15 = arith.addi %add3A, %add3A_14 : i32
    %mul3A_16 = arith.constant 128 : i32
    %mul3A_17 = arith.muli %add3A_15, %mul3A_16 : i32
    %dma_wait3A = tpu.memref_slice %arg2[%mul3A_17] : memref<100000xi32, #tpu.memory_space<hbm>> -> memref<128xi32, #tpu.memory_space<hbm>>
    %dma_wait3A_18 = tpu.memref_slice %arg2[%mul3A_17] : memref<100000xi32, #tpu.memory_space<hbm>> -> memref<128xi32, #tpu.memory_space<hbm>>
    tpu.wait_dma2 semaphore(%arg16 : memref<!tpu.dma_semaphore, #tpu.memory_space<semaphore_mem>>) src(%dma_wait3A_18 : memref<128xi32, #tpu.memory_space<hbm>>) dst(%arg8 : memref<128xi32, #tpu.memory_space<vmem>>)
    %dma_wait3A_19 = tpu.memref_slice %arg3[%mul3A_17] : memref<100000xi32, #tpu.memory_space<hbm>> -> memref<128xi32, #tpu.memory_space<hbm>>
    %dma_wait3A_20 = tpu.memref_slice %arg3[%mul3A_17] : memref<100000xi32, #tpu.memory_space<hbm>> -> memref<128xi32, #tpu.memory_space<hbm>>
    tpu.wait_dma2 semaphore(%arg16 : memref<!tpu.dma_semaphore, #tpu.memory_space<semaphore_mem>>) src(%dma_wait3A_20 : memref<128xi32, #tpu.memory_space<hbm>>) dst(%arg9 : memref<128xi32, #tpu.memory_space<vmem>>)
    %dma_start3A_21 = arith.constant 0 : i32
    %dma_start3A_22 = arith.constant 0 : i32
    %dma_start3A_23 = tpu.memref_slice %arg4[%dma_start3A_21, %dma_start3A_22] : memref<100000x128xf32, #tpu.memory_space<hbm>> -> memref<100000x128xf32, #tpu.memory_space<hbm>>
    tpu.enqueue_indirect_dma source(%dma_start3A_23 : memref<100000x128xf32, #tpu.memory_space<hbm>>) target(%arg12 : memref<128x128xf32, #tpu.memory_space<vmem>>) offsets(%arg8 : memref<128xi32, #tpu.memory_space<vmem>>) semaphore(%arg18 : memref<!tpu.dma_semaphore, #tpu.memory_space<semaphore_mem>>)
    %dma_start3A_24 = arith.constant 0 : i32
    %dma_start3A_25 = arith.constant 0 : i32
    %dma_start3A_26 = tpu.memref_slice %arg5[%dma_start3A_24, %dma_start3A_25] : memref<1000x128xf32, #tpu.memory_space<hbm>> -> memref<1000x128xf32, #tpu.memory_space<hbm>>
    tpu.enqueue_indirect_dma source(%dma_start3A_26 : memref<1000x128xf32, #tpu.memory_space<hbm>>) target(%arg14 : memref<128x128xf32, #tpu.memory_space<vmem>>) offsets(%arg9 : memref<128xi32, #tpu.memory_space<vmem>>) semaphore(%arg18 : memref<!tpu.dma_semaphore, #tpu.memory_space<semaphore_mem>>)
    %while3A = arith.constant 0 : i32
    %while3A_27 = arith.constant 0 : i32
    %while3A_28 = arith.subi %add3A_4, %while3A_27 : i32
    %while3A_29 = arith.addi %while3A_27, %while3A_28 : i32
    %while3A_30 = arith.constant 1 : i32
    %while3A_31 = arith.divsi %while3A_28, %while3A_30 : i32
    %while3A_32 = arith.muli %while3A_31, %while3A_30 : i32
    %while3A_33 = arith.addi %while3A_27, %while3A_32 : i32
    %while3A_34 = arith.constant 1 : i32
    scf.for %while3A_51 = %while3A_27 to %while3A_33 step %while3A_34  : i32 {
      %and3A = arith.constant 1 : i32
      %and3A_52 = arith.andi %while3A_51, %and3A : i32
      %eq3A_53 = arith.constant 0 : i32
      %eq3A_54 = arith.cmpi eq, %and3A_52, %eq3A_53 : i32
      %convert_element_type3A_55 = arith.extui %eq3A_54 : i1 to i32
      %cond3A_56 = arith.constant 0 : i32
      %cond3A_57 = arith.cmpi ne, %convert_element_type3A_55, %cond3A_56 : i32
      scf.if %cond3A_57 {
        %dma_wait3A_65 = arith.constant 0 : i32
        %dma_wait3A_66 = arith.constant 0 : i32
        %dma_wait3A_67 = tpu.memref_slice %arg4[%dma_wait3A_65, %dma_wait3A_66] : memref<100000x128xf32, #tpu.memory_space<hbm>> -> memref<100000x128xf32, #tpu.memory_space<hbm>>
        tpu.wait_indirect_dma semaphore(%arg18 : memref<!tpu.dma_semaphore, #tpu.memory_space<semaphore_mem>>) src(%dma_wait3A_67 : memref<100000x128xf32, #tpu.memory_space<hbm>>) dst(%arg12 : memref<128x128xf32, #tpu.memory_space<vmem>>)
        %dma_wait3A_68 = arith.constant 0 : i32
        %dma_wait3A_69 = arith.constant 0 : i32
        %dma_wait3A_70 = tpu.memref_slice %arg5[%dma_wait3A_68, %dma_wait3A_69] : memref<1000x128xf32, #tpu.memory_space<hbm>> -> memref<1000x128xf32, #tpu.memory_space<hbm>>
        tpu.wait_indirect_dma semaphore(%arg18 : memref<!tpu.dma_semaphore, #tpu.memory_space<semaphore_mem>>) src(%dma_wait3A_70 : memref<1000x128xf32, #tpu.memory_space<hbm>>) dst(%arg14 : memref<128x128xf32, #tpu.memory_space<vmem>>)
        %add3A_71 = arith.constant 2 : i32
        %add3A_72 = arith.addi %while3A_51, %add3A_71 : i32
        %lt3A_73 = arith.cmpi slt, %add3A_72, %add3A_4 : i32
        %convert_element_type3A_74 = arith.extui %lt3A_73 : i1 to i32
        %cond3A_75 = arith.constant 0 : i32
        %cond3A_76 = arith.cmpi ne, %convert_element_type3A_74, %cond3A_75 : i32
        scf.if %cond3A_76 {
          %add3A_101 = arith.constant 2 : i32
          %add3A_102 = arith.addi %while3A_51, %add3A_101 : i32
          %mul3A_103 = arith.constant 32 : i32
          %mul3A_104 = arith.muli %add3A_102, %mul3A_103 : i32
          %add3A_105 = arith.addi %add3A, %mul3A_104 : i32
          %mul3A_106 = arith.constant 128 : i32
          %mul3A_107 = arith.muli %add3A_105, %mul3A_106 : i32
          %dma_start3A_108 = tpu.memref_slice %arg2[%mul3A_107] : memref<100000xi32, #tpu.memory_space<hbm>> -> memref<128xi32, #tpu.memory_space<hbm>>
          %dma_start3A_109 = tpu.memref_slice %arg2[%mul3A_107] : memref<100000xi32, #tpu.memory_space<hbm>> -> memref<128xi32, #tpu.memory_space<hbm>>
          tpu.enqueue_dma source(%dma_start3A_109 : memref<128xi32, #tpu.memory_space<hbm>>) target(%arg8 : memref<128xi32, #tpu.memory_space<vmem>>) target_semaphore(%arg16 : memref<!tpu.dma_semaphore, #tpu.memory_space<semaphore_mem>>)
          %dma_start3A_110 = tpu.memref_slice %arg3[%mul3A_107] : memref<100000xi32, #tpu.memory_space<hbm>> -> memref<128xi32, #tpu.memory_space<hbm>>
          %dma_start3A_111 = tpu.memref_slice %arg3[%mul3A_107] : memref<100000xi32, #tpu.memory_space<hbm>> -> memref<128xi32, #tpu.memory_space<hbm>>
          tpu.enqueue_dma source(%dma_start3A_111 : memref<128xi32, #tpu.memory_space<hbm>>) target(%arg9 : memref<128xi32, #tpu.memory_space<vmem>>) target_semaphore(%arg16 : memref<!tpu.dma_semaphore, #tpu.memory_space<semaphore_mem>>)
        } else {
        }
        %mul3A_77 = arith.constant 32 : i32
        %mul3A_78 = arith.muli %while3A_51, %mul3A_77 : i32
        %add3A_79 = arith.addi %add3A, %mul3A_78 : i32
        %mul3A_80 = arith.constant 128 : i32
        %mul3A_81 = arith.muli %add3A_79, %mul3A_80 : i32
        %dma_start3A_82 = arith.constant 0 : i32
        %dma_start3A_83 = tpu.memref_slice %arg6[%mul3A_81, %dma_start3A_82] : memref<100000x128xf32, #tpu.memory_space<hbm>> -> memref<128x128xf32, #tpu.memory_space<hbm>>
        %dma_start3A_84 = arith.constant 0 : i32
        %dma_start3A_85 = tpu.memref_slice %arg6[%mul3A_81, %dma_start3A_84] : memref<100000x128xf32, #tpu.memory_space<hbm>> -> memref<128x128xf32, #tpu.memory_space<hbm>>
        tpu.enqueue_dma source(%arg12 : memref<128x128xf32, #tpu.memory_space<vmem>>) target(%dma_start3A_85 : memref<128x128xf32, #tpu.memory_space<hbm>>) target_semaphore(%arg20 : memref<!tpu.dma_semaphore, #tpu.memory_space<semaphore_mem>>)
        %dma_start3A_86 = arith.constant 0 : i32
        %dma_start3A_87 = tpu.memref_slice %arg7[%mul3A_81, %dma_start3A_86] : memref<100000x128xf32, #tpu.memory_space<hbm>> -> memref<128x128xf32, #tpu.memory_space<hbm>>
        %dma_start3A_88 = arith.constant 0 : i32
        %dma_start3A_89 = tpu.memref_slice %arg7[%mul3A_81, %dma_start3A_88] : memref<100000x128xf32, #tpu.memory_space<hbm>> -> memref<128x128xf32, #tpu.memory_space<hbm>>
        tpu.enqueue_dma source(%arg14 : memref<128x128xf32, #tpu.memory_space<vmem>>) target(%dma_start3A_89 : memref<128x128xf32, #tpu.memory_space<hbm>>) target_semaphore(%arg22 : memref<!tpu.dma_semaphore, #tpu.memory_space<semaphore_mem>>)
        %ge3A_90 = arith.constant 1 : i32
        %ge3A_91 = arith.cmpi sge, %while3A_51, %ge3A_90 : i32
        %convert_element_type3A_92 = arith.extui %ge3A_91 : i1 to i32
        %cond3A_93 = arith.constant 0 : i32
        %cond3A_94 = arith.cmpi ne, %convert_element_type3A_92, %cond3A_93 : i32
        scf.if %cond3A_94 {
          %dma_wait3A_101 = arith.constant 0 : i32
          %dma_wait3A_102 = arith.constant 0 : i32
          %dma_wait3A_103 = tpu.memref_slice %arg6[%dma_wait3A_101, %dma_wait3A_102] : memref<100000x128xf32, #tpu.memory_space<hbm>> -> memref<128x128xf32, #tpu.memory_space<hbm>>
          %dma_wait3A_104 = arith.constant 0 : i32
          %dma_wait3A_105 = arith.constant 0 : i32
          %dma_wait3A_106 = tpu.memref_slice %arg6[%dma_wait3A_104, %dma_wait3A_105] : memref<100000x128xf32, #tpu.memory_space<hbm>> -> memref<128x128xf32, #tpu.memory_space<hbm>>
          tpu.wait_dma2 semaphore(%arg21 : memref<!tpu.dma_semaphore, #tpu.memory_space<semaphore_mem>>) src(%arg13 : memref<128x128xf32, #tpu.memory_space<vmem>>) dst(%dma_wait3A_106 : memref<128x128xf32, #tpu.memory_space<hbm>>)
          %dma_wait3A_107 = arith.constant 0 : i32
          %dma_wait3A_108 = arith.constant 0 : i32
          %dma_wait3A_109 = tpu.memref_slice %arg7[%dma_wait3A_107, %dma_wait3A_108] : memref<100000x128xf32, #tpu.memory_space<hbm>> -> memref<128x128xf32, #tpu.memory_space<hbm>>
          %dma_wait3A_110 = arith.constant 0 : i32
          %dma_wait3A_111 = arith.constant 0 : i32
          %dma_wait3A_112 = tpu.memref_slice %arg7[%dma_wait3A_110, %dma_wait3A_111] : memref<100000x128xf32, #tpu.memory_space<hbm>> -> memref<128x128xf32, #tpu.memory_space<hbm>>
          tpu.wait_dma2 semaphore(%arg23 : memref<!tpu.dma_semaphore, #tpu.memory_space<semaphore_mem>>) src(%arg15 : memref<128x128xf32, #tpu.memory_space<vmem>>) dst(%dma_wait3A_112 : memref<128x128xf32, #tpu.memory_space<hbm>>)
        } else {
        }
        %add3A_95 = arith.constant 1 : i32
        %add3A_96 = arith.addi %while3A_51, %add3A_95 : i32
        %lt3A_97 = arith.cmpi slt, %add3A_96, %add3A_4 : i32
        %convert_element_type3A_98 = arith.extui %lt3A_97 : i1 to i32
        %cond3A_99 = arith.constant 0 : i32
        %cond3A_100 = arith.cmpi ne, %convert_element_type3A_98, %cond3A_99 : i32
        scf.if %cond3A_100 {
          %add3A_101 = arith.constant 1 : i32
          %add3A_102 = arith.addi %while3A_51, %add3A_101 : i32
          %mul3A_103 = arith.constant 32 : i32
          %mul3A_104 = arith.muli %add3A_102, %mul3A_103 : i32
          %add3A_105 = arith.addi %add3A, %mul3A_104 : i32
          %mul3A_106 = arith.constant 128 : i32
          %mul3A_107 = arith.muli %add3A_105, %mul3A_106 : i32
          %dma_wait3A_108 = tpu.memref_slice %arg2[%mul3A_107] : memref<100000xi32, #tpu.memory_space<hbm>> -> memref<128xi32, #tpu.memory_space<hbm>>
          %dma_wait3A_109 = tpu.memref_slice %arg2[%mul3A_107] : memref<100000xi32, #tpu.memory_space<hbm>> -> memref<128xi32, #tpu.memory_space<hbm>>
          tpu.wait_dma2 semaphore(%arg17 : memref<!tpu.dma_semaphore, #tpu.memory_space<semaphore_mem>>) src(%dma_wait3A_109 : memref<128xi32, #tpu.memory_space<hbm>>) dst(%arg10 : memref<128xi32, #tpu.memory_space<vmem>>)
          %dma_wait3A_110 = tpu.memref_slice %arg3[%mul3A_107] : memref<100000xi32, #tpu.memory_space<hbm>> -> memref<128xi32, #tpu.memory_space<hbm>>
          %dma_wait3A_111 = tpu.memref_slice %arg3[%mul3A_107] : memref<100000xi32, #tpu.memory_space<hbm>> -> memref<128xi32, #tpu.memory_space<hbm>>
          tpu.wait_dma2 semaphore(%arg17 : memref<!tpu.dma_semaphore, #tpu.memory_space<semaphore_mem>>) src(%dma_wait3A_111 : memref<128xi32, #tpu.memory_space<hbm>>) dst(%arg11 : memref<128xi32, #tpu.memory_space<vmem>>)
          %dma_start3A_112 = arith.constant 0 : i32
          %dma_start3A_113 = arith.constant 0 : i32
          %dma_start3A_114 = tpu.memref_slice %arg4[%dma_start3A_112, %dma_start3A_113] : memref<100000x128xf32, #tpu.memory_space<hbm>> -> memref<100000x128xf32, #tpu.memory_space<hbm>>
          tpu.enqueue_indirect_dma source(%dma_start3A_114 : memref<100000x128xf32, #tpu.memory_space<hbm>>) target(%arg13 : memref<128x128xf32, #tpu.memory_space<vmem>>) offsets(%arg10 : memref<128xi32, #tpu.memory_space<vmem>>) semaphore(%arg19 : memref<!tpu.dma_semaphore, #tpu.memory_space<semaphore_mem>>)
          %dma_start3A_115 = arith.constant 0 : i32
          %dma_start3A_116 = arith.constant 0 : i32
          %dma_start3A_117 = tpu.memref_slice %arg5[%dma_start3A_115, %dma_start3A_116] : memref<1000x128xf32, #tpu.memory_space<hbm>> -> memref<1000x128xf32, #tpu.memory_space<hbm>>
          tpu.enqueue_indirect_dma source(%dma_start3A_117 : memref<1000x128xf32, #tpu.memory_space<hbm>>) target(%arg15 : memref<128x128xf32, #tpu.memory_space<vmem>>) offsets(%arg11 : memref<128xi32, #tpu.memory_space<vmem>>) semaphore(%arg19 : memref<!tpu.dma_semaphore, #tpu.memory_space<semaphore_mem>>)
        } else {
        }
      } else {
      }
      %and3A_58 = arith.constant 1 : i32
      %and3A_59 = arith.andi %while3A_51, %and3A_58 : i32
      %eq3A_60 = arith.constant 1 : i32
      %eq3A_61 = arith.cmpi eq, %and3A_59, %eq3A_60 : i32
      %convert_element_type3A_62 = arith.extui %eq3A_61 : i1 to i32
      %cond3A_63 = arith.constant 0 : i32
      %cond3A_64 = arith.cmpi ne, %convert_element_type3A_62, %cond3A_63 : i32
      scf.if %cond3A_64 {
        %dma_wait3A_65 = arith.constant 0 : i32
        %dma_wait3A_66 = arith.constant 0 : i32
        %dma_wait3A_67 = tpu.memref_slice %arg4[%dma_wait3A_65, %dma_wait3A_66] : memref<100000x128xf32, #tpu.memory_space<hbm>> -> memref<100000x128xf32, #tpu.memory_space<hbm>>
        tpu.wait_indirect_dma semaphore(%arg19 : memref<!tpu.dma_semaphore, #tpu.memory_space<semaphore_mem>>) src(%dma_wait3A_67 : memref<100000x128xf32, #tpu.memory_space<hbm>>) dst(%arg13 : memref<128x128xf32, #tpu.memory_space<vmem>>)
        %dma_wait3A_68 = arith.constant 0 : i32
        %dma_wait3A_69 = arith.constant 0 : i32
        %dma_wait3A_70 = tpu.memref_slice %arg5[%dma_wait3A_68, %dma_wait3A_69] : memref<1000x128xf32, #tpu.memory_space<hbm>> -> memref<1000x128xf32, #tpu.memory_space<hbm>>
        tpu.wait_indirect_dma semaphore(%arg19 : memref<!tpu.dma_semaphore, #tpu.memory_space<semaphore_mem>>) src(%dma_wait3A_70 : memref<1000x128xf32, #tpu.memory_space<hbm>>) dst(%arg15 : memref<128x128xf32, #tpu.memory_space<vmem>>)
        %add3A_71 = arith.constant 2 : i32
        %add3A_72 = arith.addi %while3A_51, %add3A_71 : i32
        %lt3A_73 = arith.cmpi slt, %add3A_72, %add3A_4 : i32
        %convert_element_type3A_74 = arith.extui %lt3A_73 : i1 to i32
        %cond3A_75 = arith.constant 0 : i32
        %cond3A_76 = arith.cmpi ne, %convert_element_type3A_74, %cond3A_75 : i32
        scf.if %cond3A_76 {
          %add3A_101 = arith.constant 2 : i32
          %add3A_102 = arith.addi %while3A_51, %add3A_101 : i32
          %mul3A_103 = arith.constant 32 : i32
          %mul3A_104 = arith.muli %add3A_102, %mul3A_103 : i32
          %add3A_105 = arith.addi %add3A, %mul3A_104 : i32
          %mul3A_106 = arith.constant 128 : i32
          %mul3A_107 = arith.muli %add3A_105, %mul3A_106 : i32
          %dma_start3A_108 = tpu.memref_slice %arg2[%mul3A_107] : memref<100000xi32, #tpu.memory_space<hbm>> -> memref<128xi32, #tpu.memory_space<hbm>>
          %dma_start3A_109 = tpu.memref_slice %arg2[%mul3A_107] : memref<100000xi32, #tpu.memory_space<hbm>> -> memref<128xi32, #tpu.memory_space<hbm>>
          tpu.enqueue_dma source(%dma_start3A_109 : memref<128xi32, #tpu.memory_space<hbm>>) target(%arg10 : memref<128xi32, #tpu.memory_space<vmem>>) target_semaphore(%arg17 : memref<!tpu.dma_semaphore, #tpu.memory_space<semaphore_mem>>)
          %dma_start3A_110 = tpu.memref_slice %arg3[%mul3A_107] : memref<100000xi32, #tpu.memory_space<hbm>> -> memref<128xi32, #tpu.memory_space<hbm>>
          %dma_start3A_111 = tpu.memref_slice %arg3[%mul3A_107] : memref<100000xi32, #tpu.memory_space<hbm>> -> memref<128xi32, #tpu.memory_space<hbm>>
          tpu.enqueue_dma source(%dma_start3A_111 : memref<128xi32, #tpu.memory_space<hbm>>) target(%arg11 : memref<128xi32, #tpu.memory_space<vmem>>) target_semaphore(%arg17 : memref<!tpu.dma_semaphore, #tpu.memory_space<semaphore_mem>>)
        } else {
        }
        %mul3A_77 = arith.constant 32 : i32
        %mul3A_78 = arith.muli %while3A_51, %mul3A_77 : i32
        %add3A_79 = arith.addi %add3A, %mul3A_78 : i32
        %mul3A_80 = arith.constant 128 : i32
        %mul3A_81 = arith.muli %add3A_79, %mul3A_80 : i32
        %dma_start3A_82 = arith.constant 0 : i32
        %dma_start3A_83 = tpu.memref_slice %arg6[%mul3A_81, %dma_start3A_82] : memref<100000x128xf32, #tpu.memory_space<hbm>> -> memref<128x128xf32, #tpu.memory_space<hbm>>
        %dma_start3A_84 = arith.constant 0 : i32
        %dma_start3A_85 = tpu.memref_slice %arg6[%mul3A_81, %dma_start3A_84] : memref<100000x128xf32, #tpu.memory_space<hbm>> -> memref<128x128xf32, #tpu.memory_space<hbm>>
        tpu.enqueue_dma source(%arg13 : memref<128x128xf32, #tpu.memory_space<vmem>>) target(%dma_start3A_85 : memref<128x128xf32, #tpu.memory_space<hbm>>) target_semaphore(%arg21 : memref<!tpu.dma_semaphore, #tpu.memory_space<semaphore_mem>>)
        %dma_start3A_86 = arith.constant 0 : i32
        %dma_start3A_87 = tpu.memref_slice %arg7[%mul3A_81, %dma_start3A_86] : memref<100000x128xf32, #tpu.memory_space<hbm>> -> memref<128x128xf32, #tpu.memory_space<hbm>>
        %dma_start3A_88 = arith.constant 0 : i32
        %dma_start3A_89 = tpu.memref_slice %arg7[%mul3A_81, %dma_start3A_88] : memref<100000x128xf32, #tpu.memory_space<hbm>> -> memref<128x128xf32, #tpu.memory_space<hbm>>
        tpu.enqueue_dma source(%arg15 : memref<128x128xf32, #tpu.memory_space<vmem>>) target(%dma_start3A_89 : memref<128x128xf32, #tpu.memory_space<hbm>>) target_semaphore(%arg23 : memref<!tpu.dma_semaphore, #tpu.memory_space<semaphore_mem>>)
        %ge3A_90 = arith.constant 1 : i32
        %ge3A_91 = arith.cmpi sge, %while3A_51, %ge3A_90 : i32
        %convert_element_type3A_92 = arith.extui %ge3A_91 : i1 to i32
        %cond3A_93 = arith.constant 0 : i32
        %cond3A_94 = arith.cmpi ne, %convert_element_type3A_92, %cond3A_93 : i32
        scf.if %cond3A_94 {
          %dma_wait3A_101 = arith.constant 0 : i32
          %dma_wait3A_102 = arith.constant 0 : i32
          %dma_wait3A_103 = tpu.memref_slice %arg6[%dma_wait3A_101, %dma_wait3A_102] : memref<100000x128xf32, #tpu.memory_space<hbm>> -> memref<128x128xf32, #tpu.memory_space<hbm>>
          %dma_wait3A_104 = arith.constant 0 : i32
          %dma_wait3A_105 = arith.constant 0 : i32
          %dma_wait3A_106 = tpu.memref_slice %arg6[%dma_wait3A_104, %dma_wait3A_105] : memref<100000x128xf32, #tpu.memory_space<hbm>> -> memref<128x128xf32, #tpu.memory_space<hbm>>
          tpu.wait_dma2 semaphore(%arg20 : memref<!tpu.dma_semaphore, #tpu.memory_space<semaphore_mem>>) src(%arg12 : memref<128x128xf32, #tpu.memory_space<vmem>>) dst(%dma_wait3A_106 : memref<128x128xf32, #tpu.memory_space<hbm>>)
          %dma_wait3A_107 = arith.constant 0 : i32
          %dma_wait3A_108 = arith.constant 0 : i32
          %dma_wait3A_109 = tpu.memref_slice %arg7[%dma_wait3A_107, %dma_wait3A_108] : memref<100000x128xf32, #tpu.memory_space<hbm>> -> memref<128x128xf32, #tpu.memory_space<hbm>>
          %dma_wait3A_110 = arith.constant 0 : i32
          %dma_wait3A_111 = arith.constant 0 : i32
          %dma_wait3A_112 = tpu.memref_slice %arg7[%dma_wait3A_110, %dma_wait3A_111] : memref<100000x128xf32, #tpu.memory_space<hbm>> -> memref<128x128xf32, #tpu.memory_space<hbm>>
          tpu.wait_dma2 semaphore(%arg22 : memref<!tpu.dma_semaphore, #tpu.memory_space<semaphore_mem>>) src(%arg14 : memref<128x128xf32, #tpu.memory_space<vmem>>) dst(%dma_wait3A_112 : memref<128x128xf32, #tpu.memory_space<hbm>>)
        } else {
        }
        %add3A_95 = arith.constant 1 : i32
        %add3A_96 = arith.addi %while3A_51, %add3A_95 : i32
        %lt3A_97 = arith.cmpi slt, %add3A_96, %add3A_4 : i32
        %convert_element_type3A_98 = arith.extui %lt3A_97 : i1 to i32
        %cond3A_99 = arith.constant 0 : i32
        %cond3A_100 = arith.cmpi ne, %convert_element_type3A_98, %cond3A_99 : i32
        scf.if %cond3A_100 {
          %add3A_101 = arith.constant 1 : i32
          %add3A_102 = arith.addi %while3A_51, %add3A_101 : i32
          %mul3A_103 = arith.constant 32 : i32
          %mul3A_104 = arith.muli %add3A_102, %mul3A_103 : i32
          %add3A_105 = arith.addi %add3A, %mul3A_104 : i32
          %mul3A_106 = arith.constant 128 : i32
          %mul3A_107 = arith.muli %add3A_105, %mul3A_106 : i32
          %dma_wait3A_108 = tpu.memref_slice %arg2[%mul3A_107] : memref<100000xi32, #tpu.memory_space<hbm>> -> memref<128xi32, #tpu.memory_space<hbm>>
          %dma_wait3A_109 = tpu.memref_slice %arg2[%mul3A_107] : memref<100000xi32, #tpu.memory_space<hbm>> -> memref<128xi32, #tpu.memory_space<hbm>>
          tpu.wait_dma2 semaphore(%arg16 : memref<!tpu.dma_semaphore, #tpu.memory_space<semaphore_mem>>) src(%dma_wait3A_109 : memref<128xi32, #tpu.memory_space<hbm>>) dst(%arg8 : memref<128xi32, #tpu.memory_space<vmem>>)
          %dma_wait3A_110 = tpu.memref_slice %arg3[%mul3A_107] : memref<100000xi32, #tpu.memory_space<hbm>> -> memref<128xi32, #tpu.memory_space<hbm>>
          %dma_wait3A_111 = tpu.memref_slice %arg3[%mul3A_107] : memref<100000xi32, #tpu.memory_space<hbm>> -> memref<128xi32, #tpu.memory_space<hbm>>
          tpu.wait_dma2 semaphore(%arg16 : memref<!tpu.dma_semaphore, #tpu.memory_space<semaphore_mem>>) src(%dma_wait3A_111 : memref<128xi32, #tpu.memory_space<hbm>>) dst(%arg9 : memref<128xi32, #tpu.memory_space<vmem>>)
          %dma_start3A_112 = arith.constant 0 : i32
          %dma_start3A_113 = arith.constant 0 : i32
          %dma_start3A_114 = tpu.memref_slice %arg4[%dma_start3A_112, %dma_start3A_113] : memref<100000x128xf32, #tpu.memory_space<hbm>> -> memref<100000x128xf32, #tpu.memory_space<hbm>>
          tpu.enqueue_indirect_dma source(%dma_start3A_114 : memref<100000x128xf32, #tpu.memory_space<hbm>>) target(%arg12 : memref<128x128xf32, #tpu.memory_space<vmem>>) offsets(%arg8 : memref<128xi32, #tpu.memory_space<vmem>>) semaphore(%arg18 : memref<!tpu.dma_semaphore, #tpu.memory_space<semaphore_mem>>)
          %dma_start3A_115 = arith.constant 0 : i32
          %dma_start3A_116 = arith.constant 0 : i32
          %dma_start3A_117 = tpu.memref_slice %arg5[%dma_start3A_115, %dma_start3A_116] : memref<1000x128xf32, #tpu.memory_space<hbm>> -> memref<1000x128xf32, #tpu.memory_space<hbm>>
          tpu.enqueue_indirect_dma source(%dma_start3A_117 : memref<1000x128xf32, #tpu.memory_space<hbm>>) target(%arg14 : memref<128x128xf32, #tpu.memory_space<vmem>>) offsets(%arg9 : memref<128xi32, #tpu.memory_space<vmem>>) semaphore(%arg18 : memref<!tpu.dma_semaphore, #tpu.memory_space<semaphore_mem>>)
        } else {
        }
      } else {
      }
    }
    %while3A_35 = arith.constant 1 : i32
    scf.for %while3A_51 = %while3A_33 to %while3A_29 step %while3A_35  : i32 {
      %and3A = arith.constant 1 : i32
      %and3A_52 = arith.andi %while3A_51, %and3A : i32
      %eq3A_53 = arith.constant 0 : i32
      %eq3A_54 = arith.cmpi eq, %and3A_52, %eq3A_53 : i32
      %convert_element_type3A_55 = arith.extui %eq3A_54 : i1 to i32
      %cond3A_56 = arith.constant 0 : i32
      %cond3A_57 = arith.cmpi ne, %convert_element_type3A_55, %cond3A_56 : i32
      scf.if %cond3A_57 {
        %dma_wait3A_65 = arith.constant 0 : i32
        %dma_wait3A_66 = arith.constant 0 : i32
        %dma_wait3A_67 = tpu.memref_slice %arg4[%dma_wait3A_65, %dma_wait3A_66] : memref<100000x128xf32, #tpu.memory_space<hbm>> -> memref<100000x128xf32, #tpu.memory_space<hbm>>
        tpu.wait_indirect_dma semaphore(%arg18 : memref<!tpu.dma_semaphore, #tpu.memory_space<semaphore_mem>>) src(%dma_wait3A_67 : memref<100000x128xf32, #tpu.memory_space<hbm>>) dst(%arg12 : memref<128x128xf32, #tpu.memory_space<vmem>>)
        %dma_wait3A_68 = arith.constant 0 : i32
        %dma_wait3A_69 = arith.constant 0 : i32
        %dma_wait3A_70 = tpu.memref_slice %arg5[%dma_wait3A_68, %dma_wait3A_69] : memref<1000x128xf32, #tpu.memory_space<hbm>> -> memref<1000x128xf32, #tpu.memory_space<hbm>>
        tpu.wait_indirect_dma semaphore(%arg18 : memref<!tpu.dma_semaphore, #tpu.memory_space<semaphore_mem>>) src(%dma_wait3A_70 : memref<1000x128xf32, #tpu.memory_space<hbm>>) dst(%arg14 : memref<128x128xf32, #tpu.memory_space<vmem>>)
        %add3A_71 = arith.constant 2 : i32
        %add3A_72 = arith.addi %while3A_51, %add3A_71 : i32
        %lt3A_73 = arith.cmpi slt, %add3A_72, %add3A_4 : i32
        %convert_element_type3A_74 = arith.extui %lt3A_73 : i1 to i32
        %cond3A_75 = arith.constant 0 : i32
        %cond3A_76 = arith.cmpi ne, %convert_element_type3A_74, %cond3A_75 : i32
        scf.if %cond3A_76 {
          %add3A_101 = arith.constant 2 : i32
          %add3A_102 = arith.addi %while3A_51, %add3A_101 : i32
          %mul3A_103 = arith.constant 32 : i32
          %mul3A_104 = arith.muli %add3A_102, %mul3A_103 : i32
          %add3A_105 = arith.addi %add3A, %mul3A_104 : i32
          %mul3A_106 = arith.constant 128 : i32
          %mul3A_107 = arith.muli %add3A_105, %mul3A_106 : i32
          %dma_start3A_108 = tpu.memref_slice %arg2[%mul3A_107] : memref<100000xi32, #tpu.memory_space<hbm>> -> memref<128xi32, #tpu.memory_space<hbm>>
          %dma_start3A_109 = tpu.memref_slice %arg2[%mul3A_107] : memref<100000xi32, #tpu.memory_space<hbm>> -> memref<128xi32, #tpu.memory_space<hbm>>
          tpu.enqueue_dma source(%dma_start3A_109 : memref<128xi32, #tpu.memory_space<hbm>>) target(%arg8 : memref<128xi32, #tpu.memory_space<vmem>>) target_semaphore(%arg16 : memref<!tpu.dma_semaphore, #tpu.memory_space<semaphore_mem>>)
          %dma_start3A_110 = tpu.memref_slice %arg3[%mul3A_107] : memref<100000xi32, #tpu.memory_space<hbm>> -> memref<128xi32, #tpu.memory_space<hbm>>
          %dma_start3A_111 = tpu.memref_slice %arg3[%mul3A_107] : memref<100000xi32, #tpu.memory_space<hbm>> -> memref<128xi32, #tpu.memory_space<hbm>>
          tpu.enqueue_dma source(%dma_start3A_111 : memref<128xi32, #tpu.memory_space<hbm>>) target(%arg9 : memref<128xi32, #tpu.memory_space<vmem>>) target_semaphore(%arg16 : memref<!tpu.dma_semaphore, #tpu.memory_space<semaphore_mem>>)
        } else {
        }
        %mul3A_77 = arith.constant 32 : i32
        %mul3A_78 = arith.muli %while3A_51, %mul3A_77 : i32
        %add3A_79 = arith.addi %add3A, %mul3A_78 : i32
        %mul3A_80 = arith.constant 128 : i32
        %mul3A_81 = arith.muli %add3A_79, %mul3A_80 : i32
        %dma_start3A_82 = arith.constant 0 : i32
        %dma_start3A_83 = tpu.memref_slice %arg6[%mul3A_81, %dma_start3A_82] : memref<100000x128xf32, #tpu.memory_space<hbm>> -> memref<128x128xf32, #tpu.memory_space<hbm>>
        %dma_start3A_84 = arith.constant 0 : i32
        %dma_start3A_85 = tpu.memref_slice %arg6[%mul3A_81, %dma_start3A_84] : memref<100000x128xf32, #tpu.memory_space<hbm>> -> memref<128x128xf32, #tpu.memory_space<hbm>>
        tpu.enqueue_dma source(%arg12 : memref<128x128xf32, #tpu.memory_space<vmem>>) target(%dma_start3A_85 : memref<128x128xf32, #tpu.memory_space<hbm>>) target_semaphore(%arg20 : memref<!tpu.dma_semaphore, #tpu.memory_space<semaphore_mem>>)
        %dma_start3A_86 = arith.constant 0 : i32
        %dma_start3A_87 = tpu.memref_slice %arg7[%mul3A_81, %dma_start3A_86] : memref<100000x128xf32, #tpu.memory_space<hbm>> -> memref<128x128xf32, #tpu.memory_space<hbm>>
        %dma_start3A_88 = arith.constant 0 : i32
        %dma_start3A_89 = tpu.memref_slice %arg7[%mul3A_81, %dma_start3A_88] : memref<100000x128xf32, #tpu.memory_space<hbm>> -> memref<128x128xf32, #tpu.memory_space<hbm>>
        tpu.enqueue_dma source(%arg14 : memref<128x128xf32, #tpu.memory_space<vmem>>) target(%dma_start3A_89 : memref<128x128xf32, #tpu.memory_space<hbm>>) target_semaphore(%arg22 : memref<!tpu.dma_semaphore, #tpu.memory_space<semaphore_mem>>)
        %ge3A_90 = arith.constant 1 : i32
        %ge3A_91 = arith.cmpi sge, %while3A_51, %ge3A_90 : i32
        %convert_element_type3A_92 = arith.extui %ge3A_91 : i1 to i32
        %cond3A_93 = arith.constant 0 : i32
        %cond3A_94 = arith.cmpi ne, %convert_element_type3A_92, %cond3A_93 : i32
        scf.if %cond3A_94 {
          %dma_wait3A_101 = arith.constant 0 : i32
          %dma_wait3A_102 = arith.constant 0 : i32
          %dma_wait3A_103 = tpu.memref_slice %arg6[%dma_wait3A_101, %dma_wait3A_102] : memref<100000x128xf32, #tpu.memory_space<hbm>> -> memref<128x128xf32, #tpu.memory_space<hbm>>
          %dma_wait3A_104 = arith.constant 0 : i32
          %dma_wait3A_105 = arith.constant 0 : i32
          %dma_wait3A_106 = tpu.memref_slice %arg6[%dma_wait3A_104, %dma_wait3A_105] : memref<100000x128xf32, #tpu.memory_space<hbm>> -> memref<128x128xf32, #tpu.memory_space<hbm>>
          tpu.wait_dma2 semaphore(%arg21 : memref<!tpu.dma_semaphore, #tpu.memory_space<semaphore_mem>>) src(%arg13 : memref<128x128xf32, #tpu.memory_space<vmem>>) dst(%dma_wait3A_106 : memref<128x128xf32, #tpu.memory_space<hbm>>)
          %dma_wait3A_107 = arith.constant 0 : i32
          %dma_wait3A_108 = arith.constant 0 : i32
          %dma_wait3A_109 = tpu.memref_slice %arg7[%dma_wait3A_107, %dma_wait3A_108] : memref<100000x128xf32, #tpu.memory_space<hbm>> -> memref<128x128xf32, #tpu.memory_space<hbm>>
          %dma_wait3A_110 = arith.constant 0 : i32
          %dma_wait3A_111 = arith.constant 0 : i32
          %dma_wait3A_112 = tpu.memref_slice %arg7[%dma_wait3A_110, %dma_wait3A_111] : memref<100000x128xf32, #tpu.memory_space<hbm>> -> memref<128x128xf32, #tpu.memory_space<hbm>>
          tpu.wait_dma2 semaphore(%arg23 : memref<!tpu.dma_semaphore, #tpu.memory_space<semaphore_mem>>) src(%arg15 : memref<128x128xf32, #tpu.memory_space<vmem>>) dst(%dma_wait3A_112 : memref<128x128xf32, #tpu.memory_space<hbm>>)
        } else {
        }
        %add3A_95 = arith.constant 1 : i32
        %add3A_96 = arith.addi %while3A_51, %add3A_95 : i32
        %lt3A_97 = arith.cmpi slt, %add3A_96, %add3A_4 : i32
        %convert_element_type3A_98 = arith.extui %lt3A_97 : i1 to i32
        %cond3A_99 = arith.constant 0 : i32
        %cond3A_100 = arith.cmpi ne, %convert_element_type3A_98, %cond3A_99 : i32
        scf.if %cond3A_100 {
          %add3A_101 = arith.constant 1 : i32
          %add3A_102 = arith.addi %while3A_51, %add3A_101 : i32
          %mul3A_103 = arith.constant 32 : i32
          %mul3A_104 = arith.muli %add3A_102, %mul3A_103 : i32
          %add3A_105 = arith.addi %add3A, %mul3A_104 : i32
          %mul3A_106 = arith.constant 128 : i32
          %mul3A_107 = arith.muli %add3A_105, %mul3A_106 : i32
          %dma_wait3A_108 = tpu.memref_slice %arg2[%mul3A_107] : memref<100000xi32, #tpu.memory_space<hbm>> -> memref<128xi32, #tpu.memory_space<hbm>>
          %dma_wait3A_109 = tpu.memref_slice %arg2[%mul3A_107] : memref<100000xi32, #tpu.memory_space<hbm>> -> memref<128xi32, #tpu.memory_space<hbm>>
          tpu.wait_dma2 semaphore(%arg17 : memref<!tpu.dma_semaphore, #tpu.memory_space<semaphore_mem>>) src(%dma_wait3A_109 : memref<128xi32, #tpu.memory_space<hbm>>) dst(%arg10 : memref<128xi32, #tpu.memory_space<vmem>>)
          %dma_wait3A_110 = tpu.memref_slice %arg3[%mul3A_107] : memref<100000xi32, #tpu.memory_space<hbm>> -> memref<128xi32, #tpu.memory_space<hbm>>
          %dma_wait3A_111 = tpu.memref_slice %arg3[%mul3A_107] : memref<100000xi32, #tpu.memory_space<hbm>> -> memref<128xi32, #tpu.memory_space<hbm>>
          tpu.wait_dma2 semaphore(%arg17 : memref<!tpu.dma_semaphore, #tpu.memory_space<semaphore_mem>>) src(%dma_wait3A_111 : memref<128xi32, #tpu.memory_space<hbm>>) dst(%arg11 : memref<128xi32, #tpu.memory_space<vmem>>)
          %dma_start3A_112 = arith.constant 0 : i32
          %dma_start3A_113 = arith.constant 0 : i32
          %dma_start3A_114 = tpu.memref_slice %arg4[%dma_start3A_112, %dma_start3A_113] : memref<100000x128xf32, #tpu.memory_space<hbm>> -> memref<100000x128xf32, #tpu.memory_space<hbm>>
          tpu.enqueue_indirect_dma source(%dma_start3A_114 : memref<100000x128xf32, #tpu.memory_space<hbm>>) target(%arg13 : memref<128x128xf32, #tpu.memory_space<vmem>>) offsets(%arg10 : memref<128xi32, #tpu.memory_space<vmem>>) semaphore(%arg19 : memref<!tpu.dma_semaphore, #tpu.memory_space<semaphore_mem>>)
          %dma_start3A_115 = arith.constant 0 : i32
          %dma_start3A_116 = arith.constant 0 : i32
          %dma_start3A_117 = tpu.memref_slice %arg5[%dma_start3A_115, %dma_start3A_116] : memref<1000x128xf32, #tpu.memory_space<hbm>> -> memref<1000x128xf32, #tpu.memory_space<hbm>>
          tpu.enqueue_indirect_dma source(%dma_start3A_117 : memref<1000x128xf32, #tpu.memory_space<hbm>>) target(%arg15 : memref<128x128xf32, #tpu.memory_space<vmem>>) offsets(%arg11 : memref<128xi32, #tpu.memory_space<vmem>>) semaphore(%arg19 : memref<!tpu.dma_semaphore, #tpu.memory_space<semaphore_mem>>)
        } else {
        }
      } else {
      }
      %and3A_58 = arith.constant 1 : i32
      %and3A_59 = arith.andi %while3A_51, %and3A_58 : i32
      %eq3A_60 = arith.constant 1 : i32
      %eq3A_61 = arith.cmpi eq, %and3A_59, %eq3A_60 : i32
      %convert_element_type3A_62 = arith.extui %eq3A_61 : i1 to i32
      %cond3A_63 = arith.constant 0 : i32
      %cond3A_64 = arith.cmpi ne, %convert_element_type3A_62, %cond3A_63 : i32
      scf.if %cond3A_64 {
        %dma_wait3A_65 = arith.constant 0 : i32
        %dma_wait3A_66 = arith.constant 0 : i32
        %dma_wait3A_67 = tpu.memref_slice %arg4[%dma_wait3A_65, %dma_wait3A_66] : memref<100000x128xf32, #tpu.memory_space<hbm>> -> memref<100000x128xf32, #tpu.memory_space<hbm>>
        tpu.wait_indirect_dma semaphore(%arg19 : memref<!tpu.dma_semaphore, #tpu.memory_space<semaphore_mem>>) src(%dma_wait3A_67 : memref<100000x128xf32, #tpu.memory_space<hbm>>) dst(%arg13 : memref<128x128xf32, #tpu.memory_space<vmem>>)
        %dma_wait3A_68 = arith.constant 0 : i32
        %dma_wait3A_69 = arith.constant 0 : i32
        %dma_wait3A_70 = tpu.memref_slice %arg5[%dma_wait3A_68, %dma_wait3A_69] : memref<1000x128xf32, #tpu.memory_space<hbm>> -> memref<1000x128xf32, #tpu.memory_space<hbm>>
        tpu.wait_indirect_dma semaphore(%arg19 : memref<!tpu.dma_semaphore, #tpu.memory_space<semaphore_mem>>) src(%dma_wait3A_70 : memref<1000x128xf32, #tpu.memory_space<hbm>>) dst(%arg15 : memref<128x128xf32, #tpu.memory_space<vmem>>)
        %add3A_71 = arith.constant 2 : i32
        %add3A_72 = arith.addi %while3A_51, %add3A_71 : i32
        %lt3A_73 = arith.cmpi slt, %add3A_72, %add3A_4 : i32
        %convert_element_type3A_74 = arith.extui %lt3A_73 : i1 to i32
        %cond3A_75 = arith.constant 0 : i32
        %cond3A_76 = arith.cmpi ne, %convert_element_type3A_74, %cond3A_75 : i32
        scf.if %cond3A_76 {
          %add3A_101 = arith.constant 2 : i32
          %add3A_102 = arith.addi %while3A_51, %add3A_101 : i32
          %mul3A_103 = arith.constant 32 : i32
          %mul3A_104 = arith.muli %add3A_102, %mul3A_103 : i32
          %add3A_105 = arith.addi %add3A, %mul3A_104 : i32
          %mul3A_106 = arith.constant 128 : i32
          %mul3A_107 = arith.muli %add3A_105, %mul3A_106 : i32
          %dma_start3A_108 = tpu.memref_slice %arg2[%mul3A_107] : memref<100000xi32, #tpu.memory_space<hbm>> -> memref<128xi32, #tpu.memory_space<hbm>>
          %dma_start3A_109 = tpu.memref_slice %arg2[%mul3A_107] : memref<100000xi32, #tpu.memory_space<hbm>> -> memref<128xi32, #tpu.memory_space<hbm>>
          tpu.enqueue_dma source(%dma_start3A_109 : memref<128xi32, #tpu.memory_space<hbm>>) target(%arg10 : memref<128xi32, #tpu.memory_space<vmem>>) target_semaphore(%arg17 : memref<!tpu.dma_semaphore, #tpu.memory_space<semaphore_mem>>)
          %dma_start3A_110 = tpu.memref_slice %arg3[%mul3A_107] : memref<100000xi32, #tpu.memory_space<hbm>> -> memref<128xi32, #tpu.memory_space<hbm>>
          %dma_start3A_111 = tpu.memref_slice %arg3[%mul3A_107] : memref<100000xi32, #tpu.memory_space<hbm>> -> memref<128xi32, #tpu.memory_space<hbm>>
          tpu.enqueue_dma source(%dma_start3A_111 : memref<128xi32, #tpu.memory_space<hbm>>) target(%arg11 : memref<128xi32, #tpu.memory_space<vmem>>) target_semaphore(%arg17 : memref<!tpu.dma_semaphore, #tpu.memory_space<semaphore_mem>>)
        } else {
        }
        %mul3A_77 = arith.constant 32 : i32
        %mul3A_78 = arith.muli %while3A_51, %mul3A_77 : i32
        %add3A_79 = arith.addi %add3A, %mul3A_78 : i32
        %mul3A_80 = arith.constant 128 : i32
        %mul3A_81 = arith.muli %add3A_79, %mul3A_80 : i32
        %dma_start3A_82 = arith.constant 0 : i32
        %dma_start3A_83 = tpu.memref_slice %arg6[%mul3A_81, %dma_start3A_82] : memref<100000x128xf32, #tpu.memory_space<hbm>> -> memref<128x128xf32, #tpu.memory_space<hbm>>
        %dma_start3A_84 = arith.constant 0 : i32
        %dma_start3A_85 = tpu.memref_slice %arg6[%mul3A_81, %dma_start3A_84] : memref<100000x128xf32, #tpu.memory_space<hbm>> -> memref<128x128xf32, #tpu.memory_space<hbm>>
        tpu.enqueue_dma source(%arg13 : memref<128x128xf32, #tpu.memory_space<vmem>>) target(%dma_start3A_85 : memref<128x128xf32, #tpu.memory_space<hbm>>) target_semaphore(%arg21 : memref<!tpu.dma_semaphore, #tpu.memory_space<semaphore_mem>>)
        %dma_start3A_86 = arith.constant 0 : i32
        %dma_start3A_87 = tpu.memref_slice %arg7[%mul3A_81, %dma_start3A_86] : memref<100000x128xf32, #tpu.memory_space<hbm>> -> memref<128x128xf32, #tpu.memory_space<hbm>>
        %dma_start3A_88 = arith.constant 0 : i32
        %dma_start3A_89 = tpu.memref_slice %arg7[%mul3A_81, %dma_start3A_88] : memref<100000x128xf32, #tpu.memory_space<hbm>> -> memref<128x128xf32, #tpu.memory_space<hbm>>
        tpu.enqueue_dma source(%arg15 : memref<128x128xf32, #tpu.memory_space<vmem>>) target(%dma_start3A_89 : memref<128x128xf32, #tpu.memory_space<hbm>>) target_semaphore(%arg23 : memref<!tpu.dma_semaphore, #tpu.memory_space<semaphore_mem>>)
        %ge3A_90 = arith.constant 1 : i32
        %ge3A_91 = arith.cmpi sge, %while3A_51, %ge3A_90 : i32
        %convert_element_type3A_92 = arith.extui %ge3A_91 : i1 to i32
        %cond3A_93 = arith.constant 0 : i32
        %cond3A_94 = arith.cmpi ne, %convert_element_type3A_92, %cond3A_93 : i32
        scf.if %cond3A_94 {
          %dma_wait3A_101 = arith.constant 0 : i32
          %dma_wait3A_102 = arith.constant 0 : i32
          %dma_wait3A_103 = tpu.memref_slice %arg6[%dma_wait3A_101, %dma_wait3A_102] : memref<100000x128xf32, #tpu.memory_space<hbm>> -> memref<128x128xf32, #tpu.memory_space<hbm>>
          %dma_wait3A_104 = arith.constant 0 : i32
          %dma_wait3A_105 = arith.constant 0 : i32
          %dma_wait3A_106 = tpu.memref_slice %arg6[%dma_wait3A_104, %dma_wait3A_105] : memref<100000x128xf32, #tpu.memory_space<hbm>> -> memref<128x128xf32, #tpu.memory_space<hbm>>
          tpu.wait_dma2 semaphore(%arg20 : memref<!tpu.dma_semaphore, #tpu.memory_space<semaphore_mem>>) src(%arg12 : memref<128x128xf32, #tpu.memory_space<vmem>>) dst(%dma_wait3A_106 : memref<128x128xf32, #tpu.memory_space<hbm>>)
          %dma_wait3A_107 = arith.constant 0 : i32
          %dma_wait3A_108 = arith.constant 0 : i32
          %dma_wait3A_109 = tpu.memref_slice %arg7[%dma_wait3A_107, %dma_wait3A_108] : memref<100000x128xf32, #tpu.memory_space<hbm>> -> memref<128x128xf32, #tpu.memory_space<hbm>>
          %dma_wait3A_110 = arith.constant 0 : i32
          %dma_wait3A_111 = arith.constant 0 : i32
          %dma_wait3A_112 = tpu.memref_slice %arg7[%dma_wait3A_110, %dma_wait3A_111] : memref<100000x128xf32, #tpu.memory_space<hbm>> -> memref<128x128xf32, #tpu.memory_space<hbm>>
          tpu.wait_dma2 semaphore(%arg22 : memref<!tpu.dma_semaphore, #tpu.memory_space<semaphore_mem>>) src(%arg14 : memref<128x128xf32, #tpu.memory_space<vmem>>) dst(%dma_wait3A_112 : memref<128x128xf32, #tpu.memory_space<hbm>>)
        } else {
        }
        %add3A_95 = arith.constant 1 : i32
        %add3A_96 = arith.addi %while3A_51, %add3A_95 : i32
        %lt3A_97 = arith.cmpi slt, %add3A_96, %add3A_4 : i32
        %convert_element_type3A_98 = arith.extui %lt3A_97 : i1 to i32
        %cond3A_99 = arith.constant 0 : i32
        %cond3A_100 = arith.cmpi ne, %convert_element_type3A_98, %cond3A_99 : i32
        scf.if %cond3A_100 {
          %add3A_101 = arith.constant 1 : i32
          %add3A_102 = arith.addi %while3A_51, %add3A_101 : i32
          %mul3A_103 = arith.constant 32 : i32
          %mul3A_104 = arith.muli %add3A_102, %mul3A_103 : i32
          %add3A_105 = arith.addi %add3A, %mul3A_104 : i32
          %mul3A_106 = arith.constant 128 : i32
          %mul3A_107 = arith.muli %add3A_105, %mul3A_106 : i32
          %dma_wait3A_108 = tpu.memref_slice %arg2[%mul3A_107] : memref<100000xi32, #tpu.memory_space<hbm>> -> memref<128xi32, #tpu.memory_space<hbm>>
          %dma_wait3A_109 = tpu.memref_slice %arg2[%mul3A_107] : memref<100000xi32, #tpu.memory_space<hbm>> -> memref<128xi32, #tpu.memory_space<hbm>>
          tpu.wait_dma2 semaphore(%arg16 : memref<!tpu.dma_semaphore, #tpu.memory_space<semaphore_mem>>) src(%dma_wait3A_109 : memref<128xi32, #tpu.memory_space<hbm>>) dst(%arg8 : memref<128xi32, #tpu.memory_space<vmem>>)
          %dma_wait3A_110 = tpu.memref_slice %arg3[%mul3A_107] : memref<100000xi32, #tpu.memory_space<hbm>> -> memref<128xi32, #tpu.memory_space<hbm>>
          %dma_wait3A_111 = tpu.memref_slice %arg3[%mul3A_107] : memref<100000xi32, #tpu.memory_space<hbm>> -> memref<128xi32, #tpu.memory_space<hbm>>
          tpu.wait_dma2 semaphore(%arg16 : memref<!tpu.dma_semaphore, #tpu.memory_space<semaphore_mem>>) src(%dma_wait3A_111 : memref<128xi32, #tpu.memory_space<hbm>>) dst(%arg9 : memref<128xi32, #tpu.memory_space<vmem>>)
          %dma_start3A_112 = arith.constant 0 : i32
          %dma_start3A_113 = arith.constant 0 : i32
          %dma_start3A_114 = tpu.memref_slice %arg4[%dma_start3A_112, %dma_start3A_113] : memref<100000x128xf32, #tpu.memory_space<hbm>> -> memref<100000x128xf32, #tpu.memory_space<hbm>>
          tpu.enqueue_indirect_dma source(%dma_start3A_114 : memref<100000x128xf32, #tpu.memory_space<hbm>>) target(%arg12 : memref<128x128xf32, #tpu.memory_space<vmem>>) offsets(%arg8 : memref<128xi32, #tpu.memory_space<vmem>>) semaphore(%arg18 : memref<!tpu.dma_semaphore, #tpu.memory_space<semaphore_mem>>)
          %dma_start3A_115 = arith.constant 0 : i32
          %dma_start3A_116 = arith.constant 0 : i32
          %dma_start3A_117 = tpu.memref_slice %arg5[%dma_start3A_115, %dma_start3A_116] : memref<1000x128xf32, #tpu.memory_space<hbm>> -> memref<1000x128xf32, #tpu.memory_space<hbm>>
          tpu.enqueue_indirect_dma source(%dma_start3A_117 : memref<1000x128xf32, #tpu.memory_space<hbm>>) target(%arg14 : memref<128x128xf32, #tpu.memory_space<vmem>>) offsets(%arg9 : memref<128xi32, #tpu.memory_space<vmem>>) semaphore(%arg18 : memref<!tpu.dma_semaphore, #tpu.memory_space<semaphore_mem>>)
        } else {
        }
      } else {
      }
    }
    %lt3A_36 = arith.constant 13 : i32
    %lt3A_37 = arith.cmpi slt, %add3A, %lt3A_36 : i32
    %convert_element_type3A_38 = arith.extui %lt3A_37 : i1 to i32
    %cond3A_39 = arith.constant 0 : i32
    %cond3A_40 = arith.cmpi ne, %convert_element_type3A_38, %cond3A_39 : i32
    scf.if %cond3A_40 {
      %dma_wait3A_51 = arith.constant 0 : i32
      %dma_wait3A_52 = arith.constant 0 : i32
      %dma_wait3A_53 = tpu.memref_slice %arg6[%dma_wait3A_51, %dma_wait3A_52] : memref<100000x128xf32, #tpu.memory_space<hbm>> -> memref<128x128xf32, #tpu.memory_space<hbm>>
      %dma_wait3A_54 = arith.constant 0 : i32
      %dma_wait3A_55 = arith.constant 0 : i32
      %dma_wait3A_56 = tpu.memref_slice %arg6[%dma_wait3A_54, %dma_wait3A_55] : memref<100000x128xf32, #tpu.memory_space<hbm>> -> memref<128x128xf32, #tpu.memory_space<hbm>>
      tpu.wait_dma2 semaphore(%arg20 : memref<!tpu.dma_semaphore, #tpu.memory_space<semaphore_mem>>) src(%arg12 : memref<128x128xf32, #tpu.memory_space<vmem>>) dst(%dma_wait3A_56 : memref<128x128xf32, #tpu.memory_space<hbm>>)
      %dma_wait3A_57 = arith.constant 0 : i32
      %dma_wait3A_58 = arith.constant 0 : i32
      %dma_wait3A_59 = tpu.memref_slice %arg7[%dma_wait3A_57, %dma_wait3A_58] : memref<100000x128xf32, #tpu.memory_space<hbm>> -> memref<128x128xf32, #tpu.memory_space<hbm>>
      %dma_wait3A_60 = arith.constant 0 : i32
      %dma_wait3A_61 = arith.constant 0 : i32
      %dma_wait3A_62 = tpu.memref_slice %arg7[%dma_wait3A_60, %dma_wait3A_61] : memref<100000x128xf32, #tpu.memory_space<hbm>> -> memref<128x128xf32, #tpu.memory_space<hbm>>
      tpu.wait_dma2 semaphore(%arg22 : memref<!tpu.dma_semaphore, #tpu.memory_space<semaphore_mem>>) src(%arg14 : memref<128x128xf32, #tpu.memory_space<vmem>>) dst(%dma_wait3A_62 : memref<128x128xf32, #tpu.memory_space<hbm>>)
    } else {
    }
    %lt3A_41 = arith.constant 13 : i32
    %lt3A_42 = arith.cmpi slt, %add3A, %lt3A_41 : i32
    %not3A = arith.constant true
    %not3A_43 = arith.xori %lt3A_42, %not3A : i1
    %convert_element_type3A_44 = arith.extui %not3A_43 : i1 to i32
    %cond3A_45 = arith.constant 0 : i32
    %cond3A_46 = arith.cmpi ne, %convert_element_type3A_44, %cond3A_45 : i32
    scf.if %cond3A_46 {
      %dma_wait3A_51 = arith.constant 0 : i32
      %dma_wait3A_52 = arith.constant 0 : i32
      %dma_wait3A_53 = tpu.memref_slice %arg6[%dma_wait3A_51, %dma_wait3A_52] : memref<100000x128xf32, #tpu.memory_space<hbm>> -> memref<128x128xf32, #tpu.memory_space<hbm>>
      %dma_wait3A_54 = arith.constant 0 : i32
      %dma_wait3A_55 = arith.constant 0 : i32
      %dma_wait3A_56 = tpu.memref_slice %arg6[%dma_wait3A_54, %dma_wait3A_55] : memref<100000x128xf32, #tpu.memory_space<hbm>> -> memref<128x128xf32, #tpu.memory_space<hbm>>
      tpu.wait_dma2 semaphore(%arg21 : memref<!tpu.dma_semaphore, #tpu.memory_space<semaphore_mem>>) src(%arg13 : memref<128x128xf32, #tpu.memory_space<vmem>>) dst(%dma_wait3A_56 : memref<128x128xf32, #tpu.memory_space<hbm>>)
      %dma_wait3A_57 = arith.constant 0 : i32
      %dma_wait3A_58 = arith.constant 0 : i32
      %dma_wait3A_59 = tpu.memref_slice %arg7[%dma_wait3A_57, %dma_wait3A_58] : memref<100000x128xf32, #tpu.memory_space<hbm>> -> memref<128x128xf32, #tpu.memory_space<hbm>>
      %dma_wait3A_60 = arith.constant 0 : i32
      %dma_wait3A_61 = arith.constant 0 : i32
      %dma_wait3A_62 = tpu.memref_slice %arg7[%dma_wait3A_60, %dma_wait3A_61] : memref<100000x128xf32, #tpu.memory_space<hbm>> -> memref<128x128xf32, #tpu.memory_space<hbm>>
      tpu.wait_dma2 semaphore(%arg23 : memref<!tpu.dma_semaphore, #tpu.memory_space<semaphore_mem>>) src(%arg15 : memref<128x128xf32, #tpu.memory_space<vmem>>) dst(%dma_wait3A_62 : memref<128x128xf32, #tpu.memory_space<hbm>>)
    } else {
    }
    %eq3A = arith.constant 13 : i32
    %eq3A_47 = arith.cmpi eq, %add3A, %eq3A : i32
    %convert_element_type3A_48 = arith.extui %eq3A_47 : i1 to i32
    %cond3A_49 = arith.constant 0 : i32
    %cond3A_50 = arith.cmpi ne, %convert_element_type3A_48, %cond3A_49 : i32
    scf.if %cond3A_50 {
      "tpu.region"() ({
        %run_scoped3A = tpu.sem_alloc : memref<!tpu.dma_semaphore, #tpu.memory_space<semaphore_mem>>
        %dma_start3A_83 = arith.constant 0 : i32
        %dma_start3A_84 = tpu.memref_slice %arg8[%dma_start3A_83] : memref<128xi32, #tpu.memory_space<vmem>> -> memref<32xi32, #tpu.memory_space<vmem>>
        %dma_start3A_85 = arith.constant 99968 : i32
        %dma_start3A_86 = tpu.memref_slice %arg2[%dma_start3A_85] : memref<100000xi32, #tpu.memory_space<hbm>> -> memref<32xi32, #tpu.memory_space<hbm>>
        %dma_start3A_87 = arith.constant 0 : i32
        %dma_start3A_88 = tpu.memref_slice %arg8[%dma_start3A_87] : memref<128xi32, #tpu.memory_space<vmem>> -> memref<32xi32, #tpu.memory_space<vmem>>
        %dma_start3A_89 = arith.constant 99968 : i32
        %dma_start3A_90 = tpu.memref_slice %arg2[%dma_start3A_89] : memref<100000xi32, #tpu.memory_space<hbm>> -> memref<32xi32, #tpu.memory_space<hbm>>
        tpu.enqueue_dma source(%dma_start3A_90 : memref<32xi32, #tpu.memory_space<hbm>>) target(%dma_start3A_88 : memref<32xi32, #tpu.memory_space<vmem>>) target_semaphore(%run_scoped3A : memref<!tpu.dma_semaphore, #tpu.memory_space<semaphore_mem>>)
        %dma_wait3A_91 = arith.constant 0 : i32
        %dma_wait3A_92 = tpu.memref_slice %arg8[%dma_wait3A_91] : memref<128xi32, #tpu.memory_space<vmem>> -> memref<32xi32, #tpu.memory_space<vmem>>
        %dma_wait3A_93 = arith.constant 99968 : i32
        %dma_wait3A_94 = tpu.memref_slice %arg2[%dma_wait3A_93] : memref<100000xi32, #tpu.memory_space<hbm>> -> memref<32xi32, #tpu.memory_space<hbm>>
        %dma_wait3A_95 = arith.constant 0 : i32
        %dma_wait3A_96 = tpu.memref_slice %arg8[%dma_wait3A_95] : memref<128xi32, #tpu.memory_space<vmem>> -> memref<32xi32, #tpu.memory_space<vmem>>
        %dma_wait3A_97 = arith.constant 99968 : i32
        %dma_wait3A_98 = tpu.memref_slice %arg2[%dma_wait3A_97] : memref<100000xi32, #tpu.memory_space<hbm>> -> memref<32xi32, #tpu.memory_space<hbm>>
        tpu.wait_dma2 semaphore(%run_scoped3A : memref<!tpu.dma_semaphore, #tpu.memory_space<semaphore_mem>>) src(%dma_wait3A_98 : memref<32xi32, #tpu.memory_space<hbm>>) dst(%dma_wait3A_96 : memref<32xi32, #tpu.memory_space<vmem>>)
        tpu.yield
      }) : () -> ()
      "tpu.region"() ({
        %run_scoped3A = tpu.sem_alloc : memref<!tpu.dma_semaphore, #tpu.memory_space<semaphore_mem>>
        %dma_start3A_83 = arith.constant 0 : i32
        %dma_start3A_84 = tpu.memref_slice %arg9[%dma_start3A_83] : memref<128xi32, #tpu.memory_space<vmem>> -> memref<32xi32, #tpu.memory_space<vmem>>
        %dma_start3A_85 = arith.constant 99968 : i32
        %dma_start3A_86 = tpu.memref_slice %arg3[%dma_start3A_85] : memref<100000xi32, #tpu.memory_space<hbm>> -> memref<32xi32, #tpu.memory_space<hbm>>
        %dma_start3A_87 = arith.constant 0 : i32
        %dma_start3A_88 = tpu.memref_slice %arg9[%dma_start3A_87] : memref<128xi32, #tpu.memory_space<vmem>> -> memref<32xi32, #tpu.memory_space<vmem>>
        %dma_start3A_89 = arith.constant 99968 : i32
        %dma_start3A_90 = tpu.memref_slice %arg3[%dma_start3A_89] : memref<100000xi32, #tpu.memory_space<hbm>> -> memref<32xi32, #tpu.memory_space<hbm>>
        tpu.enqueue_dma source(%dma_start3A_90 : memref<32xi32, #tpu.memory_space<hbm>>) target(%dma_start3A_88 : memref<32xi32, #tpu.memory_space<vmem>>) target_semaphore(%run_scoped3A : memref<!tpu.dma_semaphore, #tpu.memory_space<semaphore_mem>>)
        %dma_wait3A_91 = arith.constant 0 : i32
        %dma_wait3A_92 = tpu.memref_slice %arg9[%dma_wait3A_91] : memref<128xi32, #tpu.memory_space<vmem>> -> memref<32xi32, #tpu.memory_space<vmem>>
        %dma_wait3A_93 = arith.constant 99968 : i32
        %dma_wait3A_94 = tpu.memref_slice %arg3[%dma_wait3A_93] : memref<100000xi32, #tpu.memory_space<hbm>> -> memref<32xi32, #tpu.memory_space<hbm>>
        %dma_wait3A_95 = arith.constant 0 : i32
        %dma_wait3A_96 = tpu.memref_slice %arg9[%dma_wait3A_95] : memref<128xi32, #tpu.memory_space<vmem>> -> memref<32xi32, #tpu.memory_space<vmem>>
        %dma_wait3A_97 = arith.constant 99968 : i32
        %dma_wait3A_98 = tpu.memref_slice %arg3[%dma_wait3A_97] : memref<100000xi32, #tpu.memory_space<hbm>> -> memref<32xi32, #tpu.memory_space<hbm>>
        tpu.wait_dma2 semaphore(%run_scoped3A : memref<!tpu.dma_semaphore, #tpu.memory_space<semaphore_mem>>) src(%dma_wait3A_98 : memref<32xi32, #tpu.memory_space<hbm>>) dst(%dma_wait3A_96 : memref<32xi32, #tpu.memory_space<vmem>>)
        tpu.yield
      }) : () -> ()
      %dma_start3A_51 = arith.constant 0 : i32
      %dma_start3A_52 = arith.constant 0 : i32
      %dma_start3A_53 = tpu.memref_slice %arg12[%dma_start3A_51, %dma_start3A_52] : memref<128x128xf32, #tpu.memory_space<vmem>> -> memref<32x128xf32, #tpu.memory_space<vmem>>
      %dma_start3A_54 = arith.constant 0 : i32
      %dma_start3A_55 = tpu.memref_slice %arg8[%dma_start3A_54] : memref<128xi32, #tpu.memory_space<vmem>> -> memref<32xi32, #tpu.memory_space<vmem>>
      %dma_start3A_56 = arith.constant 0 : i32
      %dma_start3A_57 = arith.constant 0 : i32
      %dma_start3A_58 = tpu.memref_slice %arg4[%dma_start3A_56, %dma_start3A_57] : memref<100000x128xf32, #tpu.memory_space<hbm>> -> memref<100000x128xf32, #tpu.memory_space<hbm>>
      tpu.enqueue_indirect_dma source(%dma_start3A_58 : memref<100000x128xf32, #tpu.memory_space<hbm>>) target(%dma_start3A_53 : memref<32x128xf32, #tpu.memory_space<vmem>>) offsets(%dma_start3A_55 : memref<32xi32, #tpu.memory_space<vmem>>) semaphore(%arg18 : memref<!tpu.dma_semaphore, #tpu.memory_space<semaphore_mem>>)
      %dma_start3A_59 = arith.constant 0 : i32
      %dma_start3A_60 = arith.constant 0 : i32
      %dma_start3A_61 = tpu.memref_slice %arg14[%dma_start3A_59, %dma_start3A_60] : memref<128x128xf32, #tpu.memory_space<vmem>> -> memref<32x128xf32, #tpu.memory_space<vmem>>
      %dma_start3A_62 = arith.constant 0 : i32
      %dma_start3A_63 = tpu.memref_slice %arg9[%dma_start3A_62] : memref<128xi32, #tpu.memory_space<vmem>> -> memref<32xi32, #tpu.memory_space<vmem>>
      %dma_start3A_64 = arith.constant 0 : i32
      %dma_start3A_65 = arith.constant 0 : i32
      %dma_start3A_66 = tpu.memref_slice %arg5[%dma_start3A_64, %dma_start3A_65] : memref<1000x128xf32, #tpu.memory_space<hbm>> -> memref<1000x128xf32, #tpu.memory_space<hbm>>
      tpu.enqueue_indirect_dma source(%dma_start3A_66 : memref<1000x128xf32, #tpu.memory_space<hbm>>) target(%dma_start3A_61 : memref<32x128xf32, #tpu.memory_space<vmem>>) offsets(%dma_start3A_63 : memref<32xi32, #tpu.memory_space<vmem>>) semaphore(%arg18 : memref<!tpu.dma_semaphore, #tpu.memory_space<semaphore_mem>>)
      %dma_wait3A_67 = arith.constant 0 : i32
      %dma_wait3A_68 = arith.constant 0 : i32
      %dma_wait3A_69 = tpu.memref_slice %arg12[%dma_wait3A_67, %dma_wait3A_68] : memref<128x128xf32, #tpu.memory_space<vmem>> -> memref<32x128xf32, #tpu.memory_space<vmem>>
      %dma_wait3A_70 = arith.constant 0 : i32
      %dma_wait3A_71 = tpu.memref_slice %arg8[%dma_wait3A_70] : memref<128xi32, #tpu.memory_space<vmem>> -> memref<32xi32, #tpu.memory_space<vmem>>
      %dma_wait3A_72 = arith.constant 0 : i32
      %dma_wait3A_73 = arith.constant 0 : i32
      %dma_wait3A_74 = tpu.memref_slice %arg4[%dma_wait3A_72, %dma_wait3A_73] : memref<100000x128xf32, #tpu.memory_space<hbm>> -> memref<100000x128xf32, #tpu.memory_space<hbm>>
      tpu.wait_indirect_dma semaphore(%arg18 : memref<!tpu.dma_semaphore, #tpu.memory_space<semaphore_mem>>) src(%dma_wait3A_74 : memref<100000x128xf32, #tpu.memory_space<hbm>>) dst(%dma_wait3A_69 : memref<32x128xf32, #tpu.memory_space<vmem>>)
      %dma_wait3A_75 = arith.constant 0 : i32
      %dma_wait3A_76 = arith.constant 0 : i32
      %dma_wait3A_77 = tpu.memref_slice %arg14[%dma_wait3A_75, %dma_wait3A_76] : memref<128x128xf32, #tpu.memory_space<vmem>> -> memref<32x128xf32, #tpu.memory_space<vmem>>
      %dma_wait3A_78 = arith.constant 0 : i32
      %dma_wait3A_79 = tpu.memref_slice %arg9[%dma_wait3A_78] : memref<128xi32, #tpu.memory_space<vmem>> -> memref<32xi32, #tpu.memory_space<vmem>>
      %dma_wait3A_80 = arith.constant 0 : i32
      %dma_wait3A_81 = arith.constant 0 : i32
      %dma_wait3A_82 = tpu.memref_slice %arg5[%dma_wait3A_80, %dma_wait3A_81] : memref<1000x128xf32, #tpu.memory_space<hbm>> -> memref<1000x128xf32, #tpu.memory_space<hbm>>
      tpu.wait_indirect_dma semaphore(%arg18 : memref<!tpu.dma_semaphore, #tpu.memory_space<semaphore_mem>>) src(%dma_wait3A_82 : memref<1000x128xf32, #tpu.memory_space<hbm>>) dst(%dma_wait3A_77 : memref<32x128xf32, #tpu.memory_space<vmem>>)
      "tpu.region"() ({
        %run_scoped3A = tpu.sem_alloc : memref<!tpu.dma_semaphore, #tpu.memory_space<semaphore_mem>>
        %dma_start3A_83 = arith.constant 0 : i32
        %dma_start3A_84 = arith.constant 0 : i32
        %dma_start3A_85 = tpu.memref_slice %arg12[%dma_start3A_83, %dma_start3A_84] : memref<128x128xf32, #tpu.memory_space<vmem>> -> memref<32x128xf32, #tpu.memory_space<vmem>>
        %dma_start3A_86 = arith.constant 99968 : i32
        %dma_start3A_87 = arith.constant 0 : i32
        %dma_start3A_88 = tpu.memref_slice %arg6[%dma_start3A_86, %dma_start3A_87] : memref<100000x128xf32, #tpu.memory_space<hbm>> -> memref<32x128xf32, #tpu.memory_space<hbm>>
        %dma_start3A_89 = arith.constant 99968 : i32
        %dma_start3A_90 = arith.constant 0 : i32
        %dma_start3A_91 = tpu.memref_slice %arg6[%dma_start3A_89, %dma_start3A_90] : memref<100000x128xf32, #tpu.memory_space<hbm>> -> memref<32x128xf32, #tpu.memory_space<hbm>>
        %dma_start3A_92 = arith.constant 0 : i32
        %dma_start3A_93 = arith.constant 0 : i32
        %dma_start3A_94 = tpu.memref_slice %arg12[%dma_start3A_92, %dma_start3A_93] : memref<128x128xf32, #tpu.memory_space<vmem>> -> memref<32x128xf32, #tpu.memory_space<vmem>>
        tpu.enqueue_dma source(%dma_start3A_94 : memref<32x128xf32, #tpu.memory_space<vmem>>) target(%dma_start3A_91 : memref<32x128xf32, #tpu.memory_space<hbm>>) target_semaphore(%run_scoped3A : memref<!tpu.dma_semaphore, #tpu.memory_space<semaphore_mem>>)
        %dma_wait3A_95 = arith.constant 0 : i32
        %dma_wait3A_96 = arith.constant 0 : i32
        %dma_wait3A_97 = tpu.memref_slice %arg12[%dma_wait3A_95, %dma_wait3A_96] : memref<128x128xf32, #tpu.memory_space<vmem>> -> memref<32x128xf32, #tpu.memory_space<vmem>>
        %dma_wait3A_98 = arith.constant 99968 : i32
        %dma_wait3A_99 = arith.constant 0 : i32
        %dma_wait3A_100 = tpu.memref_slice %arg6[%dma_wait3A_98, %dma_wait3A_99] : memref<100000x128xf32, #tpu.memory_space<hbm>> -> memref<32x128xf32, #tpu.memory_space<hbm>>
        %dma_wait3A_101 = arith.constant 99968 : i32
        %dma_wait3A_102 = arith.constant 0 : i32
        %dma_wait3A_103 = tpu.memref_slice %arg6[%dma_wait3A_101, %dma_wait3A_102] : memref<100000x128xf32, #tpu.memory_space<hbm>> -> memref<32x128xf32, #tpu.memory_space<hbm>>
        %dma_wait3A_104 = arith.constant 0 : i32
        %dma_wait3A_105 = arith.constant 0 : i32
        %dma_wait3A_106 = tpu.memref_slice %arg12[%dma_wait3A_104, %dma_wait3A_105] : memref<128x128xf32, #tpu.memory_space<vmem>> -> memref<32x128xf32, #tpu.memory_space<vmem>>
        tpu.wait_dma2 semaphore(%run_scoped3A : memref<!tpu.dma_semaphore, #tpu.memory_space<semaphore_mem>>) src(%dma_wait3A_106 : memref<32x128xf32, #tpu.memory_space<vmem>>) dst(%dma_wait3A_103 : memref<32x128xf32, #tpu.memory_space<hbm>>)
        tpu.yield
      }) : () -> ()
      "tpu.region"() ({
        %run_scoped3A = tpu.sem_alloc : memref<!tpu.dma_semaphore, #tpu.memory_space<semaphore_mem>>
        %dma_start3A_83 = arith.constant 0 : i32
        %dma_start3A_84 = arith.constant 0 : i32
        %dma_start3A_85 = tpu.memref_slice %arg14[%dma_start3A_83, %dma_start3A_84] : memref<128x128xf32, #tpu.memory_space<vmem>> -> memref<32x128xf32, #tpu.memory_space<vmem>>
        %dma_start3A_86 = arith.constant 99968 : i32
        %dma_start3A_87 = arith.constant 0 : i32
        %dma_start3A_88 = tpu.memref_slice %arg7[%dma_start3A_86, %dma_start3A_87] : memref<100000x128xf32, #tpu.memory_space<hbm>> -> memref<32x128xf32, #tpu.memory_space<hbm>>
        %dma_start3A_89 = arith.constant 99968 : i32
        %dma_start3A_90 = arith.constant 0 : i32
        %dma_start3A_91 = tpu.memref_slice %arg7[%dma_start3A_89, %dma_start3A_90] : memref<100000x128xf32, #tpu.memory_space<hbm>> -> memref<32x128xf32, #tpu.memory_space<hbm>>
        %dma_start3A_92 = arith.constant 0 : i32
        %dma_start3A_93 = arith.constant 0 : i32
        %dma_start3A_94 = tpu.memref_slice %arg14[%dma_start3A_92, %dma_start3A_93] : memref<128x128xf32, #tpu.memory_space<vmem>> -> memref<32x128xf32, #tpu.memory_space<vmem>>
        tpu.enqueue_dma source(%dma_start3A_94 : memref<32x128xf32, #tpu.memory_space<vmem>>) target(%dma_start3A_91 : memref<32x128xf32, #tpu.memory_space<hbm>>) target_semaphore(%run_scoped3A : memref<!tpu.dma_semaphore, #tpu.memory_space<semaphore_mem>>)
        %dma_wait3A_95 = arith.constant 0 : i32
        %dma_wait3A_96 = arith.constant 0 : i32
        %dma_wait3A_97 = tpu.memref_slice %arg14[%dma_wait3A_95, %dma_wait3A_96] : memref<128x128xf32, #tpu.memory_space<vmem>> -> memref<32x128xf32, #tpu.memory_space<vmem>>
        %dma_wait3A_98 = arith.constant 99968 : i32
        %dma_wait3A_99 = arith.constant 0 : i32
        %dma_wait3A_100 = tpu.memref_slice %arg7[%dma_wait3A_98, %dma_wait3A_99] : memref<100000x128xf32, #tpu.memory_space<hbm>> -> memref<32x128xf32, #tpu.memory_space<hbm>>
        %dma_wait3A_101 = arith.constant 99968 : i32
        %dma_wait3A_102 = arith.constant 0 : i32
        %dma_wait3A_103 = tpu.memref_slice %arg7[%dma_wait3A_101, %dma_wait3A_102] : memref<100000x128xf32, #tpu.memory_space<hbm>> -> memref<32x128xf32, #tpu.memory_space<hbm>>
        %dma_wait3A_104 = arith.constant 0 : i32
        %dma_wait3A_105 = arith.constant 0 : i32
        %dma_wait3A_106 = tpu.memref_slice %arg14[%dma_wait3A_104, %dma_wait3A_105] : memref<128x128xf32, #tpu.memory_space<vmem>> -> memref<32x128xf32, #tpu.memory_space<vmem>>
        tpu.wait_dma2 semaphore(%run_scoped3A : memref<!tpu.dma_semaphore, #tpu.memory_space<semaphore_mem>>) src(%dma_wait3A_106 : memref<32x128xf32, #tpu.memory_space<vmem>>) dst(%dma_wait3A_103 : memref<32x128xf32, #tpu.memory_space<hbm>>)
        tpu.yield
      }) : () -> ()
    } else {
    }
    return
  }
}

</mosaic_0001>

<sc_bundles>
// kernel: _encode.3.cloned.1.call-start
scs
__scs_entry_jumppad:
0x0: {  	(pc) =	sbr.rel $0x88, $3  }
0x1: {  	(tag) =	ssettag $0x0;
	lr =	simm.s32 $0x1  }
0x2: {  	[smem:$0x3F9D] =	sst lr;
	_ =	strace $0xD0000000  }
0x3: {  	_ = 	snop  }
0x4: {  	_ = 	snop  }
0x5: {  	_ = 	snop  }
0x6: {  	_ = 	snop  }
0x7: {  	_ = 	snop  }
__scs_overlays_trampoline_lowered:
0x8: {  	[smem:$0x3FAC] =	sst s0  }
0x9: {  	[smem:$0x3FAD] =	sst s1  }
0xa: {  	[smem:$0x3FAE] =	sst s2  }
0xb: {  	[smem:$0x3FAF] =	sst s3  }
0xc: {  	[smem:$0x3FB0] =	sst s4  }
0xd: {  	[smem:$0x3FB1] =	sst s5  }
0xe: {  	[smem:$0x3FB2] =	sst s6  }
0xf: {  	[smem:$0x3FB3] =	sst s7  }
0x10: {  	[smem:$0x3FB4] =	sst s8  }
0x11: {  	[smem:$0x3FB5] =	sst s9;
	s0 =	simm.s32 @!p0 $0x0  }
0x12: {  	s1 =	sld [smem:$0x3F9B];
	s0 =	simm.s32 @p0 $0x1  }
0x13: {  	[smem:$0x3FB6] =	sst s0;
	s0 =	simm.s32 @!p1 $0x0  }
0x14: {  	s2 =	sld [smem:$0x3F9A];
	s0 =	simm.s32 @p1 $0x1  }
0x15: {  	[smem:$0x3FB7] =	sst s0;
	s0 =	simm.s32 @!p2 $0x0  }
0x16: {  	s3 =	sld [smem:$0x3FDB];
	s0 =	simm.s32 @p2 $0x1  }
0x17: {  	s4 =	simm.s32 $0x1BF5;
	[smem:$0x3FB9] =	sst s0  }
0x18: {  	s0 =	sld [smem:$0x3F9C];
	_ =	swait.ge [sflag:s4], $0x0  }
0x19: {  	s7 =	sld [smem:$0x3F9D]  }
0x1a: {  	s8 =	sadd.s32 $0xFFFFE003, lr  }
0x1b: {  	s9 =	sadd.s32 $0xFFFFFEF7, lr;
	s5 =	simm.s32 $0xFFFFFFFF;
	p2 =	slt.u32 s8, $0xFFFFF086  }
0x1c: {  	p1 =	slt.u32 s9, $0xF7A;
	s5 =	simm.s32 @!p2 $0x0  }
0x1d: {  	s5 =	simm.s32 @p1 $0x1;
	p0 =	seq.s32 s7, s2  }
0x1e: {  	s7 =	smul.u32 @!p0 $0xF7A, s2;
	p2 =	seq.s32 @!p0 s5, $0x0  }
0x1f: {  	s9 =	smul.u32 $0xF7A, s1;
	s8 =	simm.s32 @!p0 $0x1BF5;
	p2 =	por !p2, p0  }
0x20: {  	[sflag:s8] =	ssyncset.s32 @!p0 $0xFFFFF086;
	s6 =	sadd.s32 @!p0 s3, s7;
	s7 =	simm.s32 @!p0 $0x108  }
0x21: {  	s3 =	sadd.s32 s3, s9;
	s6 =	sadd.s32 @!p0 $0x88, s6;
	s7 =	simm.s32 @p2 $0x1082  }
0x22: {  	[simem:s7], [sflag:s8] =	dma.local @!p0 [hbm:s6], $0xF7A  }
0x23: {  	s9 =	sor.u32 $0xD0000000, s2;
	s6 =	simm.s32 $0x108;
	_ =	swait.ge @!p0 [sflag:s8], $0x0  }
0x24: {  	s3 =	sadd.s32 $0x88, s3;
	s6 =	simm.s32 @!p1 $0x1082;
	[sflag:s4] =	ssyncset.s32 $0xFFFFF086  }
0x25: {  	[simem:s6], [sflag:s4] =	dma.local [hbm:s3], $0xF7A  }
0x26: {  	[smem:$0x3F9D] =	sst s1;
	(tag) =	ssettag s2;
	_ =	strace s9  }
0x27: {  	s1 =	sld [smem:$0x3FAD]  }
0x28: {  	s2 =	sld [smem:$0x3FAE]  }
0x29: {  	s4 =	sld [smem:$0x3FB0]  }
0x2a: {  	p0 =	seq.s32 s5, $0x0;
	s5 =	sld [smem:$0x3FB1]  }
0x2b: {  	s6 =	sld [smem:$0x3FB2]  }
0x2c: {  	s7 =	sld [smem:$0x3FB3]  }
0x2d: {  	s3 =	simm.s32 $0x108;
	s8 =	sld [smem:$0x3FB4]  }
0x2e: {  	s3 =	simm.s32 @!p0 $0x1082;
	s9 =	sld [smem:$0x3FB5]  }
0x2f: {  	lr =	sadd.s32 s0, s3;
	s0 =	sld [smem:$0x3FAC]  }
0x30: {  	s3 =	sld [smem:$0x3FAF]  }
0x31: {  	[smem:$0x3FB8] =	sst s10  }
0x32: {  	s10 =	sld [smem:$0x3FB6];
	_ =	sdelay $0x3  }
0x33: {  	p0 =	seq.s32 s10, $0x1;
	s10 =	sld [smem:$0x3FB8];
	_ =	sdelay $0x3  }
0x34: {  	[smem:$0x3FB8] =	sst s10  }
0x35: {  	s10 =	sld [smem:$0x3FB7];
	_ =	sdelay $0x3  }
0x36: {  	p1 =	seq.s32 s10, $0x1;
	s10 =	sld [smem:$0x3FB8];
	_ =	sdelay $0x3  }
0x37: {  	[smem:$0x3FB8] =	sst s10  }
0x38: {  	s10 =	sld [smem:$0x3FB9]  }
0x39: {  	_ = 	snop;
	(pc) =	sbr.ind lr, $3  }
0x3a: {  	_ = 	snop  }
0x3b: {  	_ = 	snop  }
0x3c: {  	p2 =	seq.s32 s10, $0x1;
	s10 =	sld [smem:$0x3FB8]  }
0x3d: {  	_ =	shalt  }
0x3e: {  	_ =	shalt  }
0x3f: {  	_ =	shalt  }
0x40: {  	_ =	shalt  }
0x41: {  	_ =	shalt  }
0x42: {  	_ =	shalt  }
0x43: {  	_ =	shalt  }
0x44: {  	_ =	shalt  }
0x45: {  	_ =	shalt  }
0x46: {  	_ =	shalt  }
0x47: {  	_ =	shalt  }
0x48: {  	_ =	shalt  }
0x49: {  	_ =	shalt  }
0x4a: {  	_ =	shalt  }
0x4b: {  	_ =	shalt  }
0x4c: {  	_ =	shalt  }
0x4d: {  	_ =	shalt  }
0x4e: {  	_ =	shalt  }
0x4f: {  	_ =	shalt  }
0x50: {  	_ =	shalt  }
0x51: {  	_ =	shalt  }
0x52: {  	_ =	shalt  }
0x53: {  	_ =	shalt  }
0x54: {  	_ =	shalt  }
0x55: {  	_ =	shalt  }
0x56: {  	_ =	shalt  }
0x57: {  	_ =	shalt  }
0x58: {  	_ =	shalt  }
0x59: {  	_ =	shalt  }
0x5a: {  	_ =	shalt  }
0x5b: {  	_ =	shalt  }
0x5c: {  	_ =	shalt  }
0x5d: {  	_ =	shalt  }
0x5e: {  	_ =	shalt  }
0x5f: {  	_ =	shalt  }
0x60: {  	_ =	shalt  }
0x61: {  	_ =	shalt  }
0x62: {  	_ =	shalt  }
0x63: {  	_ =	shalt  }
0x64: {  	_ =	shalt  }
0x65: {  	_ =	shalt  }
0x66: {  	_ =	shalt  }
0x67: {  	_ =	shalt  }
0x68: {  	_ =	shalt  }
0x69: {  	_ =	shalt  }
0x6a: {  	_ =	shalt  }
0x6b: {  	_ =	shalt  }
0x6c: {  	_ =	shalt  }
0x6d: {  	_ =	shalt  }
0x6e: {  	_ =	shalt  }
0x6f: {  	_ =	shalt  }
0x70: {  	_ =	shalt  }
0x71: {  	_ =	shalt  }
0x72: {  	_ =	shalt  }
0x73: {  	_ =	shalt  }
0x74: {  	_ =	shalt  }
0x75: {  	_ =	shalt  }
0x76: {  	_ =	shalt  }
0x77: {  	_ =	shalt  }
0x78: {  	_ =	shalt  }
0x79: {  	_ =	shalt  }
0x7a: {  	_ =	shalt  }
0x7b: {  	_ =	shalt  }
0x7c: {  	_ =	shalt  }
0x7d: {  	_ =	shalt  }
0x7e: {  	_ =	shalt  }
0x7f: {  	_ =	shalt  }
0x80: {  	_ =	shalt  }
0x81: {  	_ =	shalt  }
0x82: {  	_ =	shalt  }
0x83: {  	_ =	shalt  }
0x84: {  	_ =	shalt  }
0x85: {  	_ =	shalt  }
0x86: {  	_ =	shalt  }
0x87: {  	_ =	shalt  }
.Lfunc_end0:
.L_simem_size_0:
called_computation_lowered:
.L_overlay_start_0:
0x88: {  	s2 =	sld [smem:$0x3FD9]  }
0x89: {  	s3 =	sld [smem:$0x3FFE];
	_ =	sdelay $0x1  }
0x8a: {  	s1 =	srdreg.scid  }
0x8b: {  	s0 =	sand.u32 $0x1, s1  }
0x8c: {  	s15 =	sshll.u32 s0, $0xA;
	s2 =	sadd.s32 s3, s2  }
0x8d: {  	s2 =	sadd.s32 s2, s15  }
0x8e: {  	[smem:$0x3FC4] =	sst s2  }
0x8f: {  	_ = 	snop  }
0x90: {  	s2 =	sld [smem:$0x3FC9]  }
0x91: {  	s16 =	sld [smem:$0x3FD0]  }
0x92: {  	s4 =	sld [smem:$0x3FC8]  }
0x93: {  	s5 =	sld [smem:$0x3FC7]  }
0x94: {  	s7 =	simm.s32 $0xA;
	s8 =	simm.s32 $0x10;
	s6 =	sld [smem:$0x3FC6]  }
0x95: {  	[smem:s8], [sflag:s7] =	dma.local [hbm:s16], $0x1  }
0x96: {  	_ =	swait.eq [sflag:s7], $0x1  }
0x97: {  	[sflag:s7] =	ssyncset.done $0x0  }
0x98: {  	s17 =	sld [smem:$0x10];
	[sflag:s7] =	ssyncadd.s32 $0xFFFFFFFF  }
0x99: {  	s18 =	sld [smem:$0x11];
	(tm) =	ssettm $0x1  }
0x9a: {  	s19 =	sld [smem:$0x3FFB];
	_ =	sdelay $0x3  }
0x9b: {  	_ =	strace s19  }
0x9c: {  	s8 =	sld [smem:$0x3FFC];
	_ =	sdelay $0x3  }
0x9d: {  	_ =	strace s8  }
0x9e: {  	s8 =	sld [smem:$0x3FFD];
	_ =	sdelay $0x3  }
0x9f: {  	_ =	strace s8  }
0xa0: {  	_ =	strace $0x8FFFFFFF  }
0xa1: {  	s20 =	sld [smem:$0x3FDB];
	_ =	sdelay $0x1  }
0xa2: {  	s9 =	simm.s32 $_scs_section_size  }
0xa3: {  	s10 =	simm.s32 $_size__tile_overlayer_lowered;
	s11 =	simm.s32 $_tile_overlayer_lowered  }
0xa4: {  	s23 =	simm.s32 $0x1BFF;
	s22 =	sshll.u32 s11, $0x1;
	s8 =	sadd.s32 s9, s20  }
0xa5: {  	s12 =	simm.s32 $0x0;
	s21 =	sshll.u32 s10, $0x1;
	s10 =	sadd.s32 s22, s8  }
0xa6: {  	[timem:s12], [sflag:s23] =	dma.local [hbm:s10], s21  }
0xa7: {  	_ =	swait.ge [sflag:s23], s21  }
0xa8: {  	s9 =	ssub.s32 $0x0, s21;
	[sflag:s23] =	ssyncset.done $0x0  }
0xa9: {  	[sflag:s23] =	ssyncadd.s32 s9;
	_ =	sdelay $0x1  }
0xaa: {  	s24 =	simm.s32 $0x1B8B  }
0xab: {  	_ =	swait.ge [sflag:s24], $0x1  }
0xac: {  	[sflag:s24] =	ssyncset.done $0x0  }
0xad: {  	s25 =	simm.s32 $0x1B8E;
	[sflag:s24] =	ssyncadd.s32 $0xFFFFFFFF  }
0xae: {  	s26 =	simm.s32 $execute0_lowered;
	[smem:$0x3FD2] =	sst s25  }
0xaf: {  	s9 =	sshll.u32 s26, $0x1;
	_ =	strace $0x80000046;
	[dreg:$0x1] =	wrdreg $0xFFFFFFFF  }
0xb0: {  	s28 =	simm.s32 $_size_execute0_lowered;
	s8 =	sadd.s32 s8, s9;
	[dreg:$0x0] =	wrdreg $0x0  }
0xb1: {  	s9 =	sshll.u32 s28, $0x1;
	[dreg:$0x2] =	wrdreg s8  }
0xb2: {  	[dreg:$0x3] =	wrdreg s9  }
0xb3: {  	[dreg:$0x4] =	wrdreg $0xC0  }
0xb4: {  	_ =	task [dreg:s12], $0x5FFFF  }
0xb5: {  	[dreg:$0x1] =	wrdreg $0xFFFFFFFF  }
0xb6: {  	[dreg:$0x0] =	wrdreg $0x60  }
0xb7: {  	[dreg:$0x2] =	wrdreg s2  }
0xb8: {  	[dreg:$0x3] =	wrdreg s4  }
0xb9: {  	[dreg:$0x4] =	wrdreg s5  }
0xba: {  	[dreg:$0x5] =	wrdreg s6  }
0xbb: {  	[dreg:$0x6] =	wrdreg s17  }
0xbc: {  	[dreg:$0x7] =	wrdreg s18  }
0xbd: {  	[dreg:$0x8] =	wrdreg $0x9  }
0xbe: {  	_ =	task.clear_ibuf [dreg:s12], $0x9FFFF;
	_ =	strace $0x90000046  }
0xbf: {  	s29 =	simm.s32 $0x9;
	_ =	strace $0x80000048  }
0xc0: {  	_ =	swait.ge [sflag:s29], $0x1  }
0xc1: {  	[sflag:s29] =	ssyncadd.s32 $0xFFFFFFFF  }
0xc2: {  	_ =	strace $0x90000048  }
0xc3: {  	_ =	sfence  }
0xc4: {  	s30 =	sld [smem:$0x0];
	_ =	sdelay $0x2  }
0xc5: {  	s31 =	sshll.u32 s1, $0xD;
	s1 =	sshrl.u32 s1, $0x2  }
0xc6: {  	s3 =	sand.u32 $0x4000, s31;
	s1 =	sadd.s32 s1, s30  }
0xc7: {  	s0 =	sor.u32 s3, s0;
	s1 =	sshll.u32 s1, $0x11  }
0xc8: {  	s0 =	sor.u32 s1, s0  }
0xc9: {  	s0 =	sadd.s32 $0x8F2B, s0  }
0xca: {  	[sflag:s0] =	ssyncadd.remote.s32 $0x1  }
0xcb: {  	_ =	sfence.sel $0xFFFF  }
0xcc: {  	[dreg:$0x0] =	wrdreg $0xFFFFFFFF;
	(pc) =	sbr.abs _section_cstart, $3  }
0xcd: {  	[dreg:$0x1] =	wrdreg $0xFFFFFFFF  }
0xce: {  	_ =	task.clear_ibuf [dreg:s12], $0x2FFFF;
	_ =	strace $0x9FFFFFFF  }
0xcf: {  	(tm) =	ssettm $0x7FFFFFFF  }
tec
execute0_lowered:
.L_overlay_start_1:
0x0: {  	(tag) =	ssettag $0x1  }
0x1: {  	s0 =	rddreg [dreg:$0x0]  }
0x2: {  	s3 =	rddreg [dreg:$0x1]  }
0x3: {  	s1 =	rddreg [dreg:$0x2]  }
0x4: {  	s2 =	rddreg [dreg:$0x3]  }
0x5: {  	s7 =	rddreg [dreg:$0x4]  }
0x6: {  	s16 =	rddreg [dreg:$0x5];
	s5 =	srdreg.scid  }
0x7: {  	s4 =	simm.s32 $0x0;
	s11 =	stileid.u32;
	s28 =	simm.s32 $0x4  }
0x8: {  	s29 =	simm.s32 $0x4200;
	s30 =	simm.s32 $0xC200;
	s31 =	simm.s32 $0x5  }
0x9: {  	s6 =	sand.u32 $0x1, s5;
	[smem:$0x7FF] =	sst s4;
	s12 =	sshll.u32 s11, $0x1  }
0xa: {  	s5 =	simm.s32 $0x19;
	s21 =	sadd.s32 $0x30D0, s0;
	s22 =	sadd.s32 $0x30D0, s3  }
0xb: {  	s23 =	sshll.u32 s11, $0xF;
	_ =	strace $0x80000047;
	[dreg:$0xb] =	wrdreg s21  }
0xc: {  	s8 =	ssub.s32 $0x2, s6;
	s17 =	sor.u32 s6, s12;
	[dreg:$0xc] =	wrdreg s22  }
0xd: {  	s21 =	simm.s32 $0x80;
	s9 =	sshrl.u32 s8, $0x1;
	s10 =	sshll.u32 s17, $0x4  }
0xe: {  	p0 =	slt.u32 s17, $0xD;
	s15 =	ssub.s32 s8, s9;
	s14 =	sadd.s32 s0, s10  }
0xf: {  	s5 =	simm.s32 @!p0 $0x18;
	s18 =	sadd.s32 s3, s10;
	[dreg:$0x7] =	wrdreg s14  }
0x10: {  	s13 =	sor.u32 $0x200, s10;
	p0 =	sgt.u32 s17, $0xC;
	[dreg:$0x8] =	wrdreg s18  }
0x11: {  	s19 =	sadd.s32 s0, s13;
	s20 =	sadd.s32 s3, s13;
	s10 =	sadd.s32 $0xFFFFFFFF, s5  }
0x12: {  	s18 =	sshll.u32 s11, $0x8;
	s13 =	sadd.s32 $0x186800, s7;
	s14 =	sadd.s32 $0x186800, s16  }
0x13: {  	s15 =	smax.u32 s15, $0x1;
	p1 =	sne.s32 @p0 s17, $0xD;
	[dreg:$0x9] =	wrdreg s19  }
0x14: {  	[dreg:$0xa] =	wrdreg s20;
	s19 =	sshll.u32 s6, $0x7;
	s6 =	sshll.u32 s6, $0xE  }
.Ltmp0:
0x15: {  	s18 =	sor.u32 s19, s18;
	s19 =	sor.u32 s6, s23;
	(pc) =	sbr.rel .LBB2_1-.Ltmp0, $4  }
0x16: {  	s20 =	ssub.s32 $0x0, s5;
	s18 =	sor.u32 $0x2000, s18;
	s24 =	sshrl.u32 s19, $0x3  }
0x17: {  	p1 =	por p1, !p0;
	s18 =	sshrl.u32 s18, $0x3;
	s25 =	sadd.s32 s24, s16  }
0x18: {  	s23 =	sadd.s32 s24, s7;
	s24 =	simm.s32 $0x1;
	s6 =	sadd.s32 s18, s3  }
0x19: {  	s26 =	sadd.s32 s18, s0;
	s0 =	simm.s32 $0x7;
	s3 =	simm.s32 $0x0  }
.LBB2_5:
0x1a: {  	s7 =	simm.s32 @p0 $0x6  }
0x1b: {  	_ =	swait.ge @p0 [sflag:s7], $0x4000  }
0x1c: {  	[sflag:s7] =	ssyncset.done @p0 $0x0  }
0x1d: {  	[sflag:s7] =	ssyncadd.s32 @p0 $0xFFFFC000;
	s7 =	simm.s32 @p0 $0x8  }
0x1e: {  	_ =	swait.ge @p0 [sflag:s7], $0x4000  }
0x1f: {  	[sflag:s7] =	ssyncset.done @p0 $0x0  }
0x20: {  	s8 =	rddreg [dreg:$0xb];
	[sflag:s7] =	ssyncadd.s32 @p0 $0xFFFFC000;
	s7 =	simm.s32 @!p1 $0x0  }
0x21: {  	[tilespmem:s7], [sflag:$0x9] =	stream.linear.gather @!p1 [hbm4b:s8+s7], $0x20, $0x38;
	[tilespmem:$0x10200] =	vst v63  }
0x22: {  	s8 =	simm.s32 @!p1 $0x9  }
0x23: {  	_ =	swait.ge @!p1 [sflag:s8], $0x20  }
0x24: {  	[sflag:s8] =	ssyncset.done @!p1 $0x0  }
0x25: {  	s9 =	simm.s32 @!p1 $0x80;
	s11 =	rddreg [dreg:$0xc];
	[sflag:s8] =	ssyncadd.s32 @!p1 $0xFFFFFFE0  }
0x26: {  	[tilespmem:s9], [sflag:$0x9] =	stream.linear.gather @!p1 [hbm4b:s11+s7], $0x20, $0x38;
	[tilespmem:$0x10200] =	vst v63  }
0x27: {  	_ =	swait.ge @!p1 [sflag:s8], $0x20  }
0x28: {  	[sflag:s8] =	ssyncset.done @!p1 $0x0  }
0x29: {  	s12 =	simm.s32 @!p1 $0x200;
	s11 =	simm.s32 @!p1 $0x20;
	[sflag:s8] =	ssyncadd.s32 @!p1 $0xFFFFFFE0  }
0x2a: {  	[tilespmem:s12], [sflag:$0x3] =	stream.indirect.gather @!p1 [hbm4b:s1+s11], $0x80, s7, s11, $0xb8;
	[tilespmem:$0x10200] =	vst v63  }
0x2b: {  	s16 =	simm.s32 @!p1 $0x8200  }
0x2c: {  	[tilespmem:s16], [sflag:$0x3] =	stream.indirect.gather @!p1 [hbm4b:s2+s11], $0x80, s9, s11, $0xb8;
	[tilespmem:$0x10200] =	vst v63  }
0x2d: {  	s9 =	simm.s32 @!p1 $0x3  }
0x2e: {  	_ =	swait.ge @!p1 [sflag:s9], $0x1000  }
0x2f: {  	[sflag:s9] =	ssyncset.done @!p1 $0x0  }
0x30: {  	[sflag:s9] =	ssyncadd.s32 @!p1 $0xFFFFF000  }
0x31: {  	_ =	swait.ge @!p1 [sflag:s9], $0x1000  }
0x32: {  	[sflag:s9] =	ssyncset.done @!p1 $0x0  }
0x33: {  	[sflag:s9] =	ssyncadd.s32 @!p1 $0xFFFFF000  }
0x34: {  	[hbm4b:s13+s7] =	stream.linear.scatter @!p1 [tilespmem:s12], [sflag:$0x9], $0x1000, $0x38;
	[tilespmem:$0x10200] =	vst v63  }
0x35: {  	_ =	swait.ge @!p1 [sflag:s8], $0x1000  }
0x36: {  	[sflag:s8] =	ssyncset.done @!p1 $0x0  }
0x37: {  	[sflag:s8] =	ssyncadd.s32 @!p1 $0xFFFFF000  }
0x38: {  	[hbm4b:s14+s7] =	stream.linear.scatter @!p1 [tilespmem:s16], [sflag:$0x9], $0x1000, $0x38;
	[tilespmem:$0x10200] =	vst v63  }
0x39: {  	_ =	swait.ge @!p1 [sflag:s8], $0x1000  }
0x3a: {  	[sflag:s8] =	ssyncset.done @!p1 $0x0  }
0x3b: {  	s3 =	sadd.s32 $0x1, s3;
	s7 =	simm.s32 @!p0 $0x5;
	[sflag:s8] =	ssyncadd.s32 @!p1 $0xFFFFF000  }
0x3c: {  	p2 =	sne.s32 s3, s15;
	_ =	swait.ge @!p0 [sflag:s7], $0x4000  }
.Ltmp1:
0x3d: {  	[sflag:s7] =	ssyncset.done @!p0 $0x0;
	(pc) =	sbr.rel @!p2 .LBB2_6-.Ltmp1, $4  }
0x3e: {  	[sflag:s7] =	ssyncadd.s32 @!p0 $0xFFFFC000;
	s7 =	simm.s32 @!p0 $0x7  }
0x3f: {  	_ =	swait.ge @!p0 [sflag:s7], $0x4000  }
0x40: {  	[sflag:s7] =	ssyncset.done @!p0 $0x0  }
0x41: {  	[sflag:s7] =	ssyncadd.s32 @!p0 $0xFFFFC000  }
.LBB2_1:
0x42: {  	s7 =	rddreg [dreg:$0x7]  }
0x43: {  	[tilespmem:s4], [sflag:$0x1] =	stream.linear.gather [hbm4b:s7+s4], $0x80, $0x38;
	[tilespmem:$0x10200] =	vst v63  }
0x44: {  	s12 =	rddreg [dreg:$0x8]  }
0x45: {  	[tilespmem:s21], [sflag:$0x1] =	stream.linear.gather [hbm4b:s12+s4], $0x80, $0x38;
	[tilespmem:$0x10200] =	vst v63  }
0x46: {  	s16 =	rddreg [dreg:$0x9];
	s8 =	simm.s32 $0x100  }
0x47: {  	[tilespmem:s8], [sflag:$0x2] =	stream.linear.gather [hbm4b:s16+s4], $0x80, $0x38;
	[tilespmem:$0x10200] =	vst v63  }
0x48: {  	s17 =	rddreg [dreg:$0xa];
	s18 =	simm.s32 $0x180  }
0x49: {  	[tilespmem:s18], [sflag:$0x2] =	stream.linear.gather [hbm4b:s17+s4], $0x80, $0x38;
	[tilespmem:$0x10200] =	vst v63  }
0x4a: {  	_ =	swait.ge [sflag:s24], $0x80  }
0x4b: {  	[sflag:s24] =	ssyncset.done $0x0  }
0x4c: {  	[sflag:s24] =	ssyncadd.s32 $0xFFFFFF80  }
0x4d: {  	_ =	swait.ge [sflag:s24], $0x80  }
0x4e: {  	[sflag:s24] =	ssyncset.done $0x0  }
.Ltmp2:
0x4f: {  	s19 =	simm.s32 $0x200;
	[sflag:s24] =	ssyncadd.s32 $0xFFFFFF80;
	(pc) =	sbr.rel .LBB2_2-.Ltmp2, $4  }
0x50: {  	[tilespmem:s19], [sflag:$0x3] =	stream.indirect.gather [hbm4b:s1+s21], $0x80, s4, s21, $0xb8;
	[tilespmem:$0x10200] =	vst v63  }
0x51: {  	s22 =	simm.s32 $0x8200;
	s16 =	smov.u32 s6;
	s18 =	smov.u32 s25  }
0x52: {  	[tilespmem:s22], [sflag:$0x3] =	stream.indirect.gather [hbm4b:s2+s21], $0x80, s21, s21, $0xb8;
	[tilespmem:$0x10200] =	vst v63  }
0x53: {  	s17 =	smov.u32 s26;
	s19 =	smov.u32 s23;
	s22 =	simm.s32 $0x2  }
.LBB2_4:
0x54: {  	s22 =	sadd.s32 $0x1, s22  }
0x55: {  	s7 =	sadd.s32 s22, s20  }
0x56: {  	p2 =	sne.s32 s7, $0x2  }
.Ltmp3:
0x57: {  	_ = 	snop;
	(pc) =	sbr.rel @!p2 .LBB2_5-.Ltmp3, $3  }
0x58: {  	_ =	sdelay $0x1  }
0x59: {  	s16 =	sadd.s32 $0x200, s16  }
0x5a: {  	s17 =	sadd.s32 $0x200, s17;
	s18 =	sadd.s32 $0x10000, s18;
	s19 =	sadd.s32 $0x10000, s19  }
.LBB2_2:
0x5b: {  	s7 =	sadd.s32 $0xFFFFFFFE, s22  }
0x5c: {  	s8 =	sand.u32 $0x1, s7  }
0x5d: {  	p2 =	seq.s32 s8, $0x1  }
0x5e: {  	s9 =	simm.s32 @!p2 $0x3  }
0x5f: {  	_ =	swait.ge @!p2 [sflag:s9], $0x4000  }
0x60: {  	[sflag:s9] =	ssyncset.done @!p2 $0x0  }
0x61: {  	[sflag:s9] =	ssyncadd.s32 @!p2 $0xFFFFC000  }
0x62: {  	p3 =	sge.u32 @!p2 s22, s5;
	_ =	swait.ge @!p2 [sflag:s9], $0x4000  }
0x63: {  	p3 =	por p3, p2;
	[sflag:s9] =	ssyncset.done @!p2 $0x0  }
0x64: {  	[sflag:s9] =	ssyncadd.s32 @!p2 $0xFFFFC000;
	s9 =	simm.s32 @!p3 $0x0  }
0x65: {  	[tilespmem:s9], [sflag:$0x1] =	stream.linear.gather @!p3 [hbm4b:s17+s9], $0x80, $0x38;
	[tilespmem:$0x10200] =	vst v63  }
0x66: {  	s11 =	simm.s32 @!p3 $0x80  }
0x67: {  	[tilespmem:s11], [sflag:$0x1] =	stream.linear.gather @!p3 [hbm4b:s16+s9], $0x80, $0x38;
	[tilespmem:$0x10200] =	vst v63  }
0x68: {  	s9 =	simm.s32 @!p2 $0x0;
	s11 =	simm.s32 @!p2 $0x200;
	p3 =	seq.s32 @!p2 s22, $0x2  }
0x69: {  	[hbm4b:s19+s9] =	stream.linear.scatter @!p2 [tilespmem:s11], [sflag:$0x5], $0x4000, $0x38;
	[tilespmem:$0x10200] =	vst v63  }
0x6a: {  	p4 =	por p3, p2;
	s11 =	simm.s32 @!p2 $0x8200  }
0x6b: {  	[hbm4b:s18+s9] =	stream.linear.scatter @!p2 [tilespmem:s11], [sflag:$0x7], $0x4000, $0x38;
	[tilespmem:$0x10200] =	vst v63  }
0x6c: {  	s9 =	simm.s32 @!p4 $0x6  }
0x6d: {  	_ =	swait.ge @!p4 [sflag:s9], $0x4000  }
0x6e: {  	[sflag:s9] =	ssyncset.done @!p4 $0x0  }
0x6f: {  	[sflag:s9] =	ssyncadd.s32 @!p4 $0xFFFFC000;
	s9 =	simm.s32 @!p4 $0x8  }
0x70: {  	p3 =	sge.u32 @!p2 s7, s10;
	_ =	swait.ge @!p4 [sflag:s9], $0x4000  }
0x71: {  	p3 =	por p3, p2;
	[sflag:s9] =	ssyncset.done @!p4 $0x0  }
0x72: {  	[sflag:s9] =	ssyncadd.s32 @!p4 $0xFFFFC000;
	s9 =	simm.s32 @!p3 $0x2  }
0x73: {  	_ =	swait.ge @!p3 [sflag:s9], $0x80  }
0x74: {  	[sflag:s9] =	ssyncset.done @!p3 $0x0  }
0x75: {  	[sflag:s9] =	ssyncadd.s32 @!p3 $0xFFFFFF80  }
0x76: {  	_ =	swait.ge @!p3 [sflag:s9], $0x80  }
0x77: {  	s12 =	simm.s32 @!p3 $0x4200;
	[sflag:s9] =	ssyncset.done @!p3 $0x0  }
0x78: {  	s11 =	simm.s32 @!p3 $0x100;
	[sflag:s9] =	ssyncadd.s32 @!p3 $0xFFFFFF80;
	s9 =	simm.s32 @!p3 $0x80  }
0x79: {  	[tilespmem:s12], [sflag:$0x4] =	stream.indirect.gather @!p3 [hbm4b:s1+s9], $0x80, s11, s9, $0xb8;
	[tilespmem:$0x10200] =	vst v63  }
0x7a: {  	s11 =	simm.s32 @!p3 $0x180;
	s12 =	simm.s32 @!p3 $0xC200  }
0x7b: {  	[tilespmem:s12], [sflag:$0x4] =	stream.indirect.gather @!p3 [hbm4b:s2+s9], $0x80, s11, s9, $0xb8;
	[tilespmem:$0x10200] =	vst v63  }
0x7c: {  	p3 =	seq.s32 @!p2 s8, $0x0  }
0x7d: {  	p2 =	por p2, !p3  }
.Ltmp4:
0x7e: {  	_ = 	snop;
	(pc) =	sbr.rel @!p2 .LBB2_4-.Ltmp4, $1  }
0x7f: {  	_ =	sdelay $0x3  }
0x80: {  	_ =	swait.ge [sflag:s28], $0x4000  }
0x81: {  	[sflag:s28] =	ssyncset.done $0x0  }
0x82: {  	[sflag:s28] =	ssyncadd.s32 $0xFFFFC000  }
0x83: {  	_ =	swait.ge [sflag:s28], $0x4000  }
0x84: {  	p2 =	sge.u32 s22, s5;
	[sflag:s28] =	ssyncset.done $0x0  }
0x85: {  	s8 =	simm.s32 @!p2 $0x0;
	s9 =	simm.s32 @!p2 $0x100;
	[sflag:s28] =	ssyncadd.s32 $0xFFFFC000  }
0x86: {  	[tilespmem:s9], [sflag:$0x2] =	stream.linear.gather @!p2 [hbm4b:s17+s8], $0x80, $0x38;
	[tilespmem:$0x10200] =	vst v63  }
0x87: {  	s9 =	simm.s32 @!p2 $0x180  }
0x88: {  	[tilespmem:s9], [sflag:$0x2] =	stream.linear.gather @!p2 [hbm4b:s16+s8], $0x80, $0x38;
	[tilespmem:$0x10200] =	vst v63  }
0x89: {  	_ = 	snop  }
0x8a: {  	[hbm4b:s19+s4] =	stream.linear.scatter [tilespmem:s29], [sflag:$0x6], $0x4000, $0x38;
	[tilespmem:$0x10200] =	vst v63  }
0x8b: {  	_ = 	snop  }
0x8c: {  	[hbm4b:s18+s4] =	stream.linear.scatter [tilespmem:s30], [sflag:$0x8], $0x4000, $0x38;
	[tilespmem:$0x10200] =	vst v63  }
0x8d: {  	_ =	swait.ge [sflag:s31], $0x4000  }
0x8e: {  	[sflag:s31] =	ssyncset.done $0x0  }
0x8f: {  	[sflag:s31] =	ssyncadd.s32 $0xFFFFC000  }
0x90: {  	_ =	swait.ge [sflag:s0], $0x4000  }
0x91: {  	p2 =	sge.u32 s7, s10;
	[sflag:s0] =	ssyncset.done $0x0  }
0x92: {  	s7 =	simm.s32 @!p2 $0x1;
	[sflag:s0] =	ssyncadd.s32 $0xFFFFC000  }
0x93: {  	_ =	swait.ge @!p2 [sflag:s7], $0x80  }
0x94: {  	[sflag:s7] =	ssyncset.done @!p2 $0x0  }
0x95: {  	[sflag:s7] =	ssyncadd.s32 @!p2 $0xFFFFFF80  }
0x96: {  	_ =	swait.ge @!p2 [sflag:s7], $0x80  }
.Ltmp5:
0x97: {  	s8 =	simm.s32 @!p2 $0x0;
	[sflag:s7] =	ssyncset.done @!p2 $0x0;
	(pc) =	sbr.rel .LBB2_4-.Ltmp5, $4  }
0x98: {  	s9 =	simm.s32 @!p2 $0x200;
	[sflag:s7] =	ssyncadd.s32 @!p2 $0xFFFFFF80;
	s7 =	simm.s32 @!p2 $0x80  }
0x99: {  	[tilespmem:s9], [sflag:$0x3] =	stream.indirect.gather @!p2 [hbm4b:s1+s7], $0x80, s8, s7, $0xb8;
	[tilespmem:$0x10200] =	vst v63  }
0x9a: {  	s8 =	simm.s32 @!p2 $0x8200  }
0x9b: {  	[tilespmem:s8], [sflag:$0x3] =	stream.indirect.gather @!p2 [hbm4b:s2+s7], $0x80, s7, s7, $0xb8;
	[tilespmem:$0x10200] =	vst v63  }
.LBB2_6:
0x9c: {  	_ =	sfence.sel $0x180000  }
0x9d: {  	[bflag:$0x0] =	sbarrier.arrive $0xFFFF  }
0x9e: {  	_ =	strace $0x90000047  }
0x9f: {  	s0 =	stileid.u32;
	[bflag:$0x2] =	sbarrier.arrive $0xFFFF  }
0xa0: {  	p0 =	sne.s32 s0, $0x0;
	s0 =	rddreg [dreg:$0x6]  }
0xa1: {  	s0 =	sadd.s32 @!p0 $0x100000, s0  }
0xa2: {  	[sflag:s0] =	ssyncadd.tile.s32 @!p0 $0x1;
	_ =	shalt  }
.Lfunc_end2:
_tile_overlayer_lowered:
.L_overlay_start_2:
0xa3: {  	(tag) =	ssettag $0x2  }
0xa4: {  	s0 =	rddreg [dreg:$0x0];
	s2 =	stileid.u32  }
0xa5: {  	s1 =	rddreg [dreg:$0x1];
	p0 =	sne.s32 s2, $0x0  }
0xa6: {  	s3 =	rddreg [dreg:$0x2];
	[bflag:$0x3] =	sbarrier.arrive $0xFFFF;
	s2 =	simm.s32 @!p0 $0x1C09  }
0xa7: {  	[timem:s3], [sflag:s2] =	dma.local @!p0 [hbm:s0], s1  }
0xa8: {  	s0 =	simm.s32 @!p0 $0x9  }
0xa9: {  	_ =	swait.ge @!p0 [sflag:s0], s1  }
0xaa: {  	s1 =	ssub.s32 @!p0 $0x0, s1;
	[sflag:s0] =	ssyncset.done @!p0 $0x0  }
0xab: {  	[sflag:s0] =	ssyncadd.s32 @!p0 s1  }
0xac: {  	[bflag:$0x3] =	sbarrier.arrive $0xFFFF  }
0xad: {  	_ =	shalt  }

</sc_bundles>
